<compile_context>
chip_gen: v7x
topology: tpu7x:2x2x1
jax: 0.10.2.dev20260603
libtpu: 0.0.44.dev20260713+nightly
codegen_flags: <defaults>
</compile_context>

<pallas_src>
import functools

import jax
import jax.numpy as jnp
from jax import lax
from jax.experimental import pallas as pl
from jax.experimental.pallas import tpu as pltpu
from jax.experimental.pallas import tpu_sc as plsc

_B = 16384
_L = 20
_ED = 128
_HD = 512
_NG = 100

_NC = 2
_NS = 16
_NW = _NC * _NS
_BPW = _B // _NW
_CHUNK = 128
_NCHUNK = _BPW // _CHUNK
_LANES = 16

_NGP = 128
_CHALF = _BPW // 2


def _sc_gather_and_count(table, idx3, gflat, year, bh):
    bpw = bh // _NW
    nchunk = bpw // _CHUNK
    mesh = plsc.VectorSubcoreMesh(core_axis_name="c", subcore_axis_name="s")

    @functools.partial(
        pl.kernel,
        mesh=mesh,
        out_type=(
            jax.ShapeDtypeStruct((bh, _ED), jnp.float32),
            jax.ShapeDtypeStruct((_NW, bpw, _NGP), jnp.float32),
        ),
        scratch_types=[
            pltpu.VMEM((nchunk, _CHUNK), jnp.int32),
            pltpu.VMEM((bpw, _ED), jnp.float32),
            pltpu.VMEM((_L, bpw), jnp.int32),
            pltpu.VMEM((bpw, _NGP), jnp.float32),
            pltpu.VMEM((bpw,), jnp.float32),
            pltpu.SemaphoreType.DMA,
        ],
        compiler_params=pltpu.CompilerParams(needs_layout_passes=False),
    )
    def k(table_hbm, idx_hbm, gf_hbm, year_hbm, rows_out, cnt_out, idx_v,
          rows_v, gf_v, cnt_v, year_v, sem):
        wid = lax.axis_index("s") * _NC + lax.axis_index("c")
        base = wid * bpw
        pltpu.sync_copy(idx_hbm.at[wid], idx_v)
        copies = []
        for j in range(nchunk):
            copies.append(
                pltpu.async_copy(
                    table_hbm.at[idx_v.at[j]],
                    rows_v.at[pl.ds(j * _CHUNK, _CHUNK)],
                    sem,
                )
            )
        pltpu.sync_copy(gf_hbm.at[wid], gf_v)

        zero = jnp.zeros((_LANES,), jnp.float32)
        lane_iota = lax.iota(jnp.int32, _LANES)

        def zbody(i, carry):
            for rr in range(4):
                for cc in range(_NGP // _LANES):
                    cnt_v[i * 4 + rr, pl.ds(cc * _LANES, _LANES)] = zero
            return carry

        lax.fori_loop(0, bpw // 4, zbody, 0)

        pltpu.sync_copy(year_hbm.at[pl.ds(base, bpw)], year_v)
        col127 = jnp.full((_LANES,), _NGP - 1, jnp.int32)

        def sbody(grp, carry):
            rowvec = grp * _LANES + lane_iota
            yv = year_v[pl.ds(grp * _LANES, _LANES)]
            plsc.store_scatter(cnt_v, [rowvec, col127], yv)
            for l in range(_L):
                gv = gf_v[l, pl.ds(grp * _LANES, _LANES)]
                cur = plsc.load_gather(cnt_v, [rowvec, gv])
                plsc.store_scatter(cnt_v, [rowvec, gv], cur + 1.0)
            return carry

        lax.fori_loop(0, bpw // _LANES, sbody, 0)
        pltpu.sync_copy(cnt_v, cnt_out.at[wid])

        for c in copies:
            c.wait()
        pltpu.sync_copy(rows_v, rows_out.at[pl.ds(base, bpw)])

    return k(table, idx3, gflat, year)


_BT = 4096
_NSPLIT = 2


def _split_hi_lo(x):
    hi = x.astype(jnp.bfloat16)
    lo = (x - hi.astype(jnp.float32)).astype(jnp.bfloat16)
    return hi, lo


def _dot_b3(a_hi, a_lo, b_hi, b_lo):
    d = functools.partial(jnp.dot, preferred_element_type=jnp.float32)
    return d(a_hi, b_hi) + (d(a_hi, b_lo) + d(a_lo, b_hi))


def _mlp_body(user_ref, cnt_ref, gembh_ref, gembl_ref,
              w1h_ref, w1l_ref, b1_ref, w2h_ref, w2l_ref, b2_ref,
              w3h_ref, w3l_ref, b3_ref, out_ref):
    P = _dot_b3(gembh_ref[...], gembl_ref[...],
                w1h_ref[_ED:2 * _ED, :], w1l_ref[_ED:2 * _ED, :])
    w1c = (w1h_ref[2 * _ED:, :].astype(jnp.float32)
           + w1l_ref[2 * _ED:, :].astype(jnp.float32))
    riota = lax.broadcasted_iota(jnp.int32, (_NGP, 1), 0)
    P = jnp.where(riota == _NGP - 1, w1c, P)
    p_hi, p_lo = _split_hi_lo(P)
    cx_hi, cx_lo = _split_hi_lo(cnt_ref[...])
    u_hi, u_lo = _split_hi_lo(user_ref[...])
    h = _dot_b3(u_hi, u_lo, w1h_ref[0:_ED, :], w1l_ref[0:_ED, :])
    h += _dot_b3(cx_hi, cx_lo, p_hi, p_lo)
    h += b1_ref[...]
    h = jnp.maximum(h, 0.0)
    h_hi, h_lo = _split_hi_lo(h)
    h = _dot_b3(h_hi, h_lo, w2h_ref[...], w2l_ref[...])
    h = jnp.maximum(h + b2_ref[...], 0.0)
    h_hi, h_lo = _split_hi_lo(h)
    out = _dot_b3(h_hi, h_lo, w3h_ref[...], w3l_ref[...])
    out_ref[...] = jnp.squeeze(out + b3_ref[...], axis=1)


def _tc_mlp(bh, user_rows, counts, gembh, gembl, w1h, w1l, b1,
            w2h, w2l, b2, w3h, w3l, b3):
    grid = (bh // _BT,)
    bs = pl.BlockSpec

    def _const(shape):
        return bs(shape, lambda i: tuple(0 for _ in shape))

    return pl.pallas_call(
        _mlp_body,
        grid=grid,
        in_specs=[
            bs((_BT, _ED), lambda i: (i, 0)),
            bs((_BT, _NGP), lambda i: (i, 0)),
            _const((_NGP, _ED)),
            _const((_NGP, _ED)),
            _const((2 * _ED + 1, _HD)),
            _const((2 * _ED + 1, _HD)),
            _const((1, _HD)),
            _const((_HD, _HD // 2)),
            _const((_HD, _HD // 2)),
            _const((1, _HD // 2)),
            _const((_HD // 2, 1)),
            _const((_HD // 2, 1)),
            _const((1, 1)),
        ],
        out_specs=bs((_BT,), lambda i: (i,)),
        out_shape=jax.ShapeDtypeStruct((bh,), jnp.float32),
        compiler_params=pltpu.CompilerParams(
            dimension_semantics=("arbitrary",),
        ),
    )(user_rows, counts, gembh, gembl, w1h, w1l, b1,
      w2h, w2l, b2, w3h, w3l, b3)


def kernel(user_idx, genre_indices, year, user_emb, genre_emb, W1, b1, W2,
           b2, W3, b3):
    gembp = jnp.concatenate(
        [genre_emb * (1.0 / _L),
         jnp.zeros((_NGP - _NG, _ED), jnp.float32)], axis=0)
    gembh, gembl = _split_hi_lo(gembp)
    w1h, w1l = _split_hi_lo(W1)
    w2h, w2l = _split_hi_lo(W2)
    w3h, w3l = _split_hi_lo(W3)
    b1r = b1.reshape(1, _HD)
    b2r = b2.reshape(1, _HD // 2)
    b3r = b3.reshape(1, 1)

    bh = _B // _NSPLIT
    bpw = bh // _NW
    outs = []
    sc_outs = []
    for s in range(_NSPLIT):
        sl = slice(s * bh, (s + 1) * bh)
        idx3 = user_idx[sl].astype(jnp.int32).reshape(_NW, bpw // _CHUNK,
                                                      _CHUNK)
        gflat = (genre_indices[sl].astype(jnp.int32)
                 .reshape(_NW, bpw, _L).transpose(0, 2, 1))
        sc_outs.append(
            _sc_gather_and_count(user_emb, idx3, gflat, year[sl], bh))
    for s in range(_NSPLIT):
        user_rows, counts_sc = sc_outs[s]
        counts = counts_sc.reshape(bh, _NGP)
        outs.append(_tc_mlp(
            bh, user_rows, counts, gembh, gembl, w1h, w1l, b1r,
            w2h, w2l, b2r, w3h, w3l, b3r,
        ))
    return jnp.concatenate(outs)

# --- scband reference (transcript-rebuilt; emitter-appended) ---
"""Pipeline reference for scband-content-recommender-60533269070348 (READ-ONLY COPY).

The authoritative reference and input builder live on the scoring server;
editing this copy changes nothing except your own understanding.
"""

import jax, jax.numpy as jnp
import numpy as np

B = 16384
L = 20
NUM_USERS = 100000
NUM_GENRES = 100
ED = 128
HD = 512
IN_DIM = ED + ED + 1  # 257


def setup_inputs(seed: int = 0) -> dict:
    key = jax.random.key(seed)
    ks = jax.random.split(key, 12)
    user_idx = jax.random.randint(ks[0], (B,), 0, NUM_USERS, dtype=jnp.int64 if jax.config.read('jax_enable_x64') else jnp.int32)
    genre_indices = jax.random.randint(ks[1], (B, L), 0, NUM_GENRES)
    year = jax.random.uniform(ks[2], (B,), dtype=jnp.float32)
    # parameters (xavier-ish scaled normals)
    user_emb = jax.random.normal(ks[3], (NUM_USERS, ED), dtype=jnp.float32) * (2.0 / (NUM_USERS + ED)) ** 0.5
    genre_emb = jax.random.normal(ks[4], (NUM_GENRES, ED), dtype=jnp.float32) * (2.0 / (NUM_GENRES + ED)) ** 0.5
    W1 = jax.random.normal(ks[5], (IN_DIM, HD), dtype=jnp.float32) * (2.0 / IN_DIM) ** 0.5
    b1 = jnp.zeros((HD,), dtype=jnp.float32)
    W2 = jax.random.normal(ks[6], (HD, HD // 2), dtype=jnp.float32) * (2.0 / HD) ** 0.5
    b2 = jnp.zeros((HD // 2,), dtype=jnp.float32)
    W3 = jax.random.normal(ks[7], (HD // 2, 1), dtype=jnp.float32) * (2.0 / (HD // 2)) ** 0.5
    b3 = jnp.zeros((1,), dtype=jnp.float32)
    return {"user_idx": user_idx, "genre_indices": genre_indices, "year": year,
            "user_emb": user_emb, "genre_emb": genre_emb,
            "W1": W1, "b1": b1, "W2": W2, "b2": b2, "W3": W3, "b3": b3}


def reference(user_idx, genre_indices, year, user_emb, genre_emb, W1, b1, W2, b2, W3, b3):
    user_vec = jnp.take(user_emb, user_idx, axis=0)           # [B, ED]
    genre_vecs = jnp.take(genre_emb, genre_indices, axis=0)   # [B, L, ED]
    item_genre_vec = genre_vecs.mean(axis=1)                  # [B, ED]
    year_vec = year[:, None]                                  # [B, 1]
    combined = jnp.concatenate([user_vec, item_genre_vec, year_vec], axis=1)  # [B, 257]
    h = jax.nn.relu(combined @ W1 + b1)
    # dropout is identity in eval mode
    h = jax.nn.relu(h @ W2 + b2)
    out = h @ W3 + b3                                         # [B, 1]
    return jnp.squeeze(out)

if __name__ == "__main__":
    import jax
    _d = setup_inputs()
    print(jax.jit(kernel)(*tuple(_d.values())))

</pallas_src>

<mosaic_0001>
#map = affine_map<(d0, d1) -> (0, 0)>
#map1 = affine_map<(d0, d1) -> (0, 0, 0)>
#map2 = affine_map<(d0, d1) -> (0)>
module attributes {stable_mosaic.version = 14 : i64} {
  func.func @k(%arg0: i32, %arg1: i32, %arg2: memref<100000x128xf32, #tpu.memory_space<hbm>>, %arg3: memref<32x2x128xi32, #tpu.memory_space<hbm>>, %arg4: memref<32x20x256xi32, #tpu.memory_space<hbm>>, %arg5: memref<8192xf32, #tpu.memory_space<hbm>>, %arg6: memref<8192x128xf32, #tpu.memory_space<hbm>>, %arg7: memref<32x256x128xf32, #tpu.memory_space<hbm>>, %arg8: memref<2x128xi32, #tpu.memory_space<vmem>>, %arg9: memref<256x128xf32, #tpu.memory_space<vmem>>, %arg10: memref<20x256xi32, #tpu.memory_space<vmem>>, %arg11: memref<256x128xf32, #tpu.memory_space<vmem>>, %arg12: memref<256xf32, #tpu.memory_space<vmem>>, %arg13: memref<!tpu.dma_semaphore, #tpu.memory_space<semaphore_mem>>) attributes {dimension_semantics = [#tpu.dimension_semantics<core_parallel>, #tpu.dimension_semantics<subcore_parallel>], iteration_bounds = array<i64: 2, 16>, scalar_prefetch = 0 : i64, scratch_operands = 6 : i64, tpu.core_type = #tpu.core_type<sc_vector_subcore>, window_params = [{transform_indices = #map}, {transform_indices = #map1}, {transform_indices = #map1}, {transform_indices = #map2}, {transform_indices = #map}, {transform_indices = #map1}]} {
    %mul3A = arith.constant 2 : i32
    %mul3A_0 = arith.muli %arg1, %mul3A : i32
    %add3A = arith.addi %mul3A_0, %arg0 : i32
    %mul3A_1 = arith.constant 256 : i32
    %mul3A_2 = arith.muli %add3A, %mul3A_1 : i32
    "tpu.region"() ({
      %run_scoped3A = tpu.sem_alloc : memref<!tpu.dma_semaphore, #tpu.memory_space<semaphore_mem>>
      %dma_start3A_55 = arith.constant 0 : i32
      %dma_start3A_56 = arith.constant 0 : i32
      %dma_start3A_57 = tpu.memref_slice %arg3[%add3A, %dma_start3A_55, %dma_start3A_56] : memref<32x2x128xi32, #tpu.memory_space<hbm>> -> memref<1x2x128xi32, #tpu.memory_space<hbm>>
      %dma_start3A_58 = tpu.memref_squeeze %dma_start3A_57 : memref<1x2x128xi32, #tpu.memory_space<hbm>> -> memref<2x128xi32, #tpu.memory_space<hbm>>
      %dma_start3A_59 = arith.constant 0 : i32
      %dma_start3A_60 = arith.constant 0 : i32
      %dma_start3A_61 = tpu.memref_slice %arg3[%add3A, %dma_start3A_59, %dma_start3A_60] : memref<32x2x128xi32, #tpu.memory_space<hbm>> -> memref<1x2x128xi32, #tpu.memory_space<hbm>>
      %dma_start3A_62 = tpu.memref_squeeze %dma_start3A_61 : memref<1x2x128xi32, #tpu.memory_space<hbm>> -> memref<2x128xi32, #tpu.memory_space<hbm>>
      tpu.enqueue_dma source(%dma_start3A_62 : memref<2x128xi32, #tpu.memory_space<hbm>>) target(%arg8 : memref<2x128xi32, #tpu.memory_space<vmem>>) target_semaphore(%run_scoped3A : memref<!tpu.dma_semaphore, #tpu.memory_space<semaphore_mem>>)
      %dma_wait3A_63 = arith.constant 0 : i32
      %dma_wait3A_64 = arith.constant 0 : i32
      %dma_wait3A_65 = tpu.memref_slice %arg3[%add3A, %dma_wait3A_63, %dma_wait3A_64] : memref<32x2x128xi32, #tpu.memory_space<hbm>> -> memref<1x2x128xi32, #tpu.memory_space<hbm>>
      %dma_wait3A_66 = tpu.memref_squeeze %dma_wait3A_65 : memref<1x2x128xi32, #tpu.memory_space<hbm>> -> memref<2x128xi32, #tpu.memory_space<hbm>>
      %dma_wait3A_67 = arith.constant 0 : i32
      %dma_wait3A_68 = arith.constant 0 : i32
      %dma_wait3A_69 = tpu.memref_slice %arg3[%add3A, %dma_wait3A_67, %dma_wait3A_68] : memref<32x2x128xi32, #tpu.memory_space<hbm>> -> memref<1x2x128xi32, #tpu.memory_space<hbm>>
      %dma_wait3A_70 = tpu.memref_squeeze %dma_wait3A_69 : memref<1x2x128xi32, #tpu.memory_space<hbm>> -> memref<2x128xi32, #tpu.memory_space<hbm>>
      tpu.wait_dma2 semaphore(%run_scoped3A : memref<!tpu.dma_semaphore, #tpu.memory_space<semaphore_mem>>) src(%dma_wait3A_70 : memref<2x128xi32, #tpu.memory_space<hbm>>) dst(%arg8 : memref<2x128xi32, #tpu.memory_space<vmem>>)
      tpu.yield
    }) : () -> ()
    %dma_start3A = arith.constant 0 : i32
    %dma_start3A_3 = arith.constant 0 : i32
    %dma_start3A_4 = arith.constant 0 : i32
    %dma_start3A_5 = tpu.memref_slice %arg9[%dma_start3A_3, %dma_start3A_4] : memref<256x128xf32, #tpu.memory_space<vmem>> -> memref<128x128xf32, #tpu.memory_space<vmem>>
    %dma_start3A_6 = arith.constant 0 : i32
    %dma_start3A_7 = tpu.memref_slice %arg8[%dma_start3A, %dma_start3A_6] : memref<2x128xi32, #tpu.memory_space<vmem>> -> memref<1x128xi32, #tpu.memory_space<vmem>>
    %dma_start3A_8 = tpu.memref_squeeze %dma_start3A_7 : memref<1x128xi32, #tpu.memory_space<vmem>> -> memref<128xi32, #tpu.memory_space<vmem>>
    %dma_start3A_9 = arith.constant 0 : i32
    %dma_start3A_10 = arith.constant 0 : i32
    %dma_start3A_11 = tpu.memref_slice %arg2[%dma_start3A_9, %dma_start3A_10] : memref<100000x128xf32, #tpu.memory_space<hbm>> -> memref<100000x128xf32, #tpu.memory_space<hbm>>
    tpu.enqueue_indirect_dma source(%dma_start3A_11 : memref<100000x128xf32, #tpu.memory_space<hbm>>) target(%dma_start3A_5 : memref<128x128xf32, #tpu.memory_space<vmem>>) offsets(%dma_start3A_8 : memref<128xi32, #tpu.memory_space<vmem>>) semaphore(%arg13 : memref<!tpu.dma_semaphore, #tpu.memory_space<semaphore_mem>>)
    %dma_start3A_12 = arith.constant 1 : i32
    %dma_start3A_13 = arith.constant 128 : i32
    %dma_start3A_14 = arith.constant 0 : i32
    %dma_start3A_15 = tpu.memref_slice %arg9[%dma_start3A_13, %dma_start3A_14] : memref<256x128xf32, #tpu.memory_space<vmem>> -> memref<128x128xf32, #tpu.memory_space<vmem>>
    %dma_start3A_16 = arith.constant 0 : i32
    %dma_start3A_17 = tpu.memref_slice %arg8[%dma_start3A_12, %dma_start3A_16] : memref<2x128xi32, #tpu.memory_space<vmem>> -> memref<1x128xi32, #tpu.memory_space<vmem>>
    %dma_start3A_18 = tpu.memref_squeeze %dma_start3A_17 : memref<1x128xi32, #tpu.memory_space<vmem>> -> memref<128xi32, #tpu.memory_space<vmem>>
    %dma_start3A_19 = arith.constant 0 : i32
    %dma_start3A_20 = arith.constant 0 : i32
    %dma_start3A_21 = tpu.memref_slice %arg2[%dma_start3A_19, %dma_start3A_20] : memref<100000x128xf32, #tpu.memory_space<hbm>> -> memref<100000x128xf32, #tpu.memory_space<hbm>>
    tpu.enqueue_indirect_dma source(%dma_start3A_21 : memref<100000x128xf32, #tpu.memory_space<hbm>>) target(%dma_start3A_15 : memref<128x128xf32, #tpu.memory_space<vmem>>) offsets(%dma_start3A_18 : memref<128xi32, #tpu.memory_space<vmem>>) semaphore(%arg13 : memref<!tpu.dma_semaphore, #tpu.memory_space<semaphore_mem>>)
    "tpu.region"() ({
      %run_scoped3A = tpu.sem_alloc : memref<!tpu.dma_semaphore, #tpu.memory_space<semaphore_mem>>
      %dma_start3A_55 = arith.constant 0 : i32
      %dma_start3A_56 = arith.constant 0 : i32
      %dma_start3A_57 = tpu.memref_slice %arg4[%add3A, %dma_start3A_55, %dma_start3A_56] : memref<32x20x256xi32, #tpu.memory_space<hbm>> -> memref<1x20x256xi32, #tpu.memory_space<hbm>>
      %dma_start3A_58 = tpu.memref_squeeze %dma_start3A_57 : memref<1x20x256xi32, #tpu.memory_space<hbm>> -> memref<20x256xi32, #tpu.memory_space<hbm>>
      %dma_start3A_59 = arith.constant 0 : i32
      %dma_start3A_60 = arith.constant 0 : i32
      %dma_start3A_61 = tpu.memref_slice %arg4[%add3A, %dma_start3A_59, %dma_start3A_60] : memref<32x20x256xi32, #tpu.memory_space<hbm>> -> memref<1x20x256xi32, #tpu.memory_space<hbm>>
      %dma_start3A_62 = tpu.memref_squeeze %dma_start3A_61 : memref<1x20x256xi32, #tpu.memory_space<hbm>> -> memref<20x256xi32, #tpu.memory_space<hbm>>
      tpu.enqueue_dma source(%dma_start3A_62 : memref<20x256xi32, #tpu.memory_space<hbm>>) target(%arg10 : memref<20x256xi32, #tpu.memory_space<vmem>>) target_semaphore(%run_scoped3A : memref<!tpu.dma_semaphore, #tpu.memory_space<semaphore_mem>>)
      %dma_wait3A_63 = arith.constant 0 : i32
      %dma_wait3A_64 = arith.constant 0 : i32
      %dma_wait3A_65 = tpu.memref_slice %arg4[%add3A, %dma_wait3A_63, %dma_wait3A_64] : memref<32x20x256xi32, #tpu.memory_space<hbm>> -> memref<1x20x256xi32, #tpu.memory_space<hbm>>
      %dma_wait3A_66 = tpu.memref_squeeze %dma_wait3A_65 : memref<1x20x256xi32, #tpu.memory_space<hbm>> -> memref<20x256xi32, #tpu.memory_space<hbm>>
      %dma_wait3A_67 = arith.constant 0 : i32
      %dma_wait3A_68 = arith.constant 0 : i32
      %dma_wait3A_69 = tpu.memref_slice %arg4[%add3A, %dma_wait3A_67, %dma_wait3A_68] : memref<32x20x256xi32, #tpu.memory_space<hbm>> -> memref<1x20x256xi32, #tpu.memory_space<hbm>>
      %dma_wait3A_70 = tpu.memref_squeeze %dma_wait3A_69 : memref<1x20x256xi32, #tpu.memory_space<hbm>> -> memref<20x256xi32, #tpu.memory_space<hbm>>
      tpu.wait_dma2 semaphore(%run_scoped3A : memref<!tpu.dma_semaphore, #tpu.memory_space<semaphore_mem>>) src(%dma_wait3A_70 : memref<20x256xi32, #tpu.memory_space<hbm>>) dst(%arg10 : memref<20x256xi32, #tpu.memory_space<vmem>>)
      tpu.yield
    }) : () -> ()
    %broadcast_in_dim3A = arith.constant 0.000000e+00 : f32
    %broadcast_in_dim3A_22 = vector.broadcast %broadcast_in_dim3A : f32 to vector<16xf32>
    %iota3A = tpu.iota {dimensions = array<i32: 0>} : vector<16xi32>
    %scan3A = arith.constant 0 : i32
    %scan3A_23 = arith.constant 0 : i32
    %scan3A_24 = arith.constant 64 : i32
    %scan3A_25 = arith.addi %scan3A_23, %scan3A_24 : i32
    %scan3A_26 = arith.constant 1 : i32
    scf.for %scan3A_55 = %scan3A_23 to %scan3A_25 step %scan3A_26  : i32 {
      %mul3A_56 = arith.constant 4 : i32
      %mul3A_57 = arith.muli %scan3A_55, %mul3A_56 : i32
      %add3A_58 = arith.constant 0 : i32
      %add3A_59 = arith.addi %mul3A_57, %add3A_58 : i32
      %swap3A = arith.index_cast %add3A_59 : i32 to index
      %swap3A_60 = arith.constant 0 : index
      %swap3A_61 = tpu.vector_load %arg11[%swap3A, %swap3A_60] {strides = array<i32>} : memref<256x128xf32, #tpu.memory_space<vmem>>, vector<16xf32>,
      tpu.vector_store %arg11[%swap3A, %swap3A_60], %broadcast_in_dim3A_22 {strides = array<i32>} : memref<256x128xf32, #tpu.memory_space<vmem>>, vector<16xf32>,
      %mul3A_62 = arith.constant 4 : i32
      %mul3A_63 = arith.muli %scan3A_55, %mul3A_62 : i32
      %add3A_64 = arith.constant 0 : i32
      %add3A_65 = arith.addi %mul3A_63, %add3A_64 : i32
      %swap3A_66 = arith.index_cast %add3A_65 : i32 to index
      %swap3A_67 = arith.constant 16 : index
      %swap3A_68 = tpu.vector_load %arg11[%swap3A_66, %swap3A_67] {strides = array<i32>} : memref<256x128xf32, #tpu.memory_space<vmem>>, vector<16xf32>,
      tpu.vector_store %arg11[%swap3A_66, %swap3A_67], %broadcast_in_dim3A_22 {strides = array<i32>} : memref<256x128xf32, #tpu.memory_space<vmem>>, vector<16xf32>,
      %mul3A_69 = arith.constant 4 : i32
      %mul3A_70 = arith.muli %scan3A_55, %mul3A_69 : i32
      %add3A_71 = arith.constant 0 : i32
      %add3A_72 = arith.addi %mul3A_70, %add3A_71 : i32
      %swap3A_73 = arith.index_cast %add3A_72 : i32 to index
      %swap3A_74 = arith.constant 32 : index
      %swap3A_75 = tpu.vector_load %arg11[%swap3A_73, %swap3A_74] {strides = array<i32>} : memref<256x128xf32, #tpu.memory_space<vmem>>, vector<16xf32>,
      tpu.vector_store %arg11[%swap3A_73, %swap3A_74], %broadcast_in_dim3A_22 {strides = array<i32>} : memref<256x128xf32, #tpu.memory_space<vmem>>, vector<16xf32>,
      %mul3A_76 = arith.constant 4 : i32
      %mul3A_77 = arith.muli %scan3A_55, %mul3A_76 : i32
      %add3A_78 = arith.constant 0 : i32
      %add3A_79 = arith.addi %mul3A_77, %add3A_78 : i32
      %swap3A_80 = arith.index_cast %add3A_79 : i32 to index
      %swap3A_81 = arith.constant 48 : index
      %swap3A_82 = tpu.vector_load %arg11[%swap3A_80, %swap3A_81] {strides = array<i32>} : memref<256x128xf32, #tpu.memory_space<vmem>>, vector<16xf32>,
      tpu.vector_store %arg11[%swap3A_80, %swap3A_81], %broadcast_in_dim3A_22 {strides = array<i32>} : memref<256x128xf32, #tpu.memory_space<vmem>>, vector<16xf32>,
      %mul3A_83 = arith.constant 4 : i32
      %mul3A_84 = arith.muli %scan3A_55, %mul3A_83 : i32
      %add3A_85 = arith.constant 0 : i32
      %add3A_86 = arith.addi %mul3A_84, %add3A_85 : i32
      %swap3A_87 = arith.index_cast %add3A_86 : i32 to index
      %swap3A_88 = arith.constant 64 : index
      %swap3A_89 = tpu.vector_load %arg11[%swap3A_87, %swap3A_88] {strides = array<i32>} : memref<256x128xf32, #tpu.memory_space<vmem>>, vector<16xf32>,
      tpu.vector_store %arg11[%swap3A_87, %swap3A_88], %broadcast_in_dim3A_22 {strides = array<i32>} : memref<256x128xf32, #tpu.memory_space<vmem>>, vector<16xf32>,
      %mul3A_90 = arith.constant 4 : i32
      %mul3A_91 = arith.muli %scan3A_55, %mul3A_90 : i32
      %add3A_92 = arith.constant 0 : i32
      %add3A_93 = arith.addi %mul3A_91, %add3A_92 : i32
      %swap3A_94 = arith.index_cast %add3A_93 : i32 to index
      %swap3A_95 = arith.constant 80 : index
      %swap3A_96 = tpu.vector_load %arg11[%swap3A_94, %swap3A_95] {strides = array<i32>} : memref<256x128xf32, #tpu.memory_space<vmem>>, vector<16xf32>,
      tpu.vector_store %arg11[%swap3A_94, %swap3A_95], %broadcast_in_dim3A_22 {strides = array<i32>} : memref<256x128xf32, #tpu.memory_space<vmem>>, vector<16xf32>,
      %mul3A_97 = arith.constant 4 : i32
      %mul3A_98 = arith.muli %scan3A_55, %mul3A_97 : i32
      %add3A_99 = arith.constant 0 : i32
      %add3A_100 = arith.addi %mul3A_98, %add3A_99 : i32
      %swap3A_101 = arith.index_cast %add3A_100 : i32 to index
      %swap3A_102 = arith.constant 96 : index
      %swap3A_103 = tpu.vector_load %arg11[%swap3A_101, %swap3A_102] {strides = array<i32>} : memref<256x128xf32, #tpu.memory_space<vmem>>, vector<16xf32>,
      tpu.vector_store %arg11[%swap3A_101, %swap3A_102], %broadcast_in_dim3A_22 {strides = array<i32>} : memref<256x128xf32, #tpu.memory_space<vmem>>, vector<16xf32>,
      %mul3A_104 = arith.constant 4 : i32
      %mul3A_105 = arith.muli %scan3A_55, %mul3A_104 : i32
      %add3A_106 = arith.constant 0 : i32
      %add3A_107 = arith.addi %mul3A_105, %add3A_106 : i32
      %swap3A_108 = arith.index_cast %add3A_107 : i32 to index
      %swap3A_109 = arith.constant 112 : index
      %swap3A_110 = tpu.vector_load %arg11[%swap3A_108, %swap3A_109] {strides = array<i32>} : memref<256x128xf32, #tpu.memory_space<vmem>>, vector<16xf32>,
      tpu.vector_store %arg11[%swap3A_108, %swap3A_109], %broadcast_in_dim3A_22 {strides = array<i32>} : memref<256x128xf32, #tpu.memory_space<vmem>>, vector<16xf32>,
      %mul3A_111 = arith.constant 4 : i32
      %mul3A_112 = arith.muli %scan3A_55, %mul3A_111 : i32
      %add3A_113 = arith.constant 1 : i32
      %add3A_114 = arith.addi %mul3A_112, %add3A_113 : i32
      %swap3A_115 = arith.index_cast %add3A_114 : i32 to index
      %swap3A_116 = arith.constant 0 : index
      %swap3A_117 = tpu.vector_load %arg11[%swap3A_115, %swap3A_116] {strides = array<i32>} : memref<256x128xf32, #tpu.memory_space<vmem>>, vector<16xf32>,
      tpu.vector_store %arg11[%swap3A_115, %swap3A_116], %broadcast_in_dim3A_22 {strides = array<i32>} : memref<256x128xf32, #tpu.memory_space<vmem>>, vector<16xf32>,
      %mul3A_118 = arith.constant 4 : i32
      %mul3A_119 = arith.muli %scan3A_55, %mul3A_118 : i32
      %add3A_120 = arith.constant 1 : i32
      %add3A_121 = arith.addi %mul3A_119, %add3A_120 : i32
      %swap3A_122 = arith.index_cast %add3A_121 : i32 to index
      %swap3A_123 = arith.constant 16 : index
      %swap3A_124 = tpu.vector_load %arg11[%swap3A_122, %swap3A_123] {strides = array<i32>} : memref<256x128xf32, #tpu.memory_space<vmem>>, vector<16xf32>,
      tpu.vector_store %arg11[%swap3A_122, %swap3A_123], %broadcast_in_dim3A_22 {strides = array<i32>} : memref<256x128xf32, #tpu.memory_space<vmem>>, vector<16xf32>,
      %mul3A_125 = arith.constant 4 : i32
      %mul3A_126 = arith.muli %scan3A_55, %mul3A_125 : i32
      %add3A_127 = arith.constant 1 : i32
      %add3A_128 = arith.addi %mul3A_126, %add3A_127 : i32
      %swap3A_129 = arith.index_cast %add3A_128 : i32 to index
      %swap3A_130 = arith.constant 32 : index
      %swap3A_131 = tpu.vector_load %arg11[%swap3A_129, %swap3A_130] {strides = array<i32>} : memref<256x128xf32, #tpu.memory_space<vmem>>, vector<16xf32>,
      tpu.vector_store %arg11[%swap3A_129, %swap3A_130], %broadcast_in_dim3A_22 {strides = array<i32>} : memref<256x128xf32, #tpu.memory_space<vmem>>, vector<16xf32>,
      %mul3A_132 = arith.constant 4 : i32
      %mul3A_133 = arith.muli %scan3A_55, %mul3A_132 : i32
      %add3A_134 = arith.constant 1 : i32
      %add3A_135 = arith.addi %mul3A_133, %add3A_134 : i32
      %swap3A_136 = arith.index_cast %add3A_135 : i32 to index
      %swap3A_137 = arith.constant 48 : index
      %swap3A_138 = tpu.vector_load %arg11[%swap3A_136, %swap3A_137] {strides = array<i32>} : memref<256x128xf32, #tpu.memory_space<vmem>>, vector<16xf32>,
      tpu.vector_store %arg11[%swap3A_136, %swap3A_137], %broadcast_in_dim3A_22 {strides = array<i32>} : memref<256x128xf32, #tpu.memory_space<vmem>>, vector<16xf32>,
      %mul3A_139 = arith.constant 4 : i32
      %mul3A_140 = arith.muli %scan3A_55, %mul3A_139 : i32
      %add3A_141 = arith.constant 1 : i32
      %add3A_142 = arith.addi %mul3A_140, %add3A_141 : i32
      %swap3A_143 = arith.index_cast %add3A_142 : i32 to index
      %swap3A_144 = arith.constant 64 : index
      %swap3A_145 = tpu.vector_load %arg11[%swap3A_143, %swap3A_144] {strides = array<i32>} : memref<256x128xf32, #tpu.memory_space<vmem>>, vector<16xf32>,
      tpu.vector_store %arg11[%swap3A_143, %swap3A_144], %broadcast_in_dim3A_22 {strides = array<i32>} : memref<256x128xf32, #tpu.memory_space<vmem>>, vector<16xf32>,
      %mul3A_146 = arith.constant 4 : i32
      %mul3A_147 = arith.muli %scan3A_55, %mul3A_146 : i32
      %add3A_148 = arith.constant 1 : i32
      %add3A_149 = arith.addi %mul3A_147, %add3A_148 : i32
      %swap3A_150 = arith.index_cast %add3A_149 : i32 to index
      %swap3A_151 = arith.constant 80 : index
      %swap3A_152 = tpu.vector_load %arg11[%swap3A_150, %swap3A_151] {strides = array<i32>} : memref<256x128xf32, #tpu.memory_space<vmem>>, vector<16xf32>,
      tpu.vector_store %arg11[%swap3A_150, %swap3A_151], %broadcast_in_dim3A_22 {strides = array<i32>} : memref<256x128xf32, #tpu.memory_space<vmem>>, vector<16xf32>,
      %mul3A_153 = arith.constant 4 : i32
      %mul3A_154 = arith.muli %scan3A_55, %mul3A_153 : i32
      %add3A_155 = arith.constant 1 : i32
      %add3A_156 = arith.addi %mul3A_154, %add3A_155 : i32
      %swap3A_157 = arith.index_cast %add3A_156 : i32 to index
      %swap3A_158 = arith.constant 96 : index
      %swap3A_159 = tpu.vector_load %arg11[%swap3A_157, %swap3A_158] {strides = array<i32>} : memref<256x128xf32, #tpu.memory_space<vmem>>, vector<16xf32>,
      tpu.vector_store %arg11[%swap3A_157, %swap3A_158], %broadcast_in_dim3A_22 {strides = array<i32>} : memref<256x128xf32, #tpu.memory_space<vmem>>, vector<16xf32>,
      %mul3A_160 = arith.constant 4 : i32
      %mul3A_161 = arith.muli %scan3A_55, %mul3A_160 : i32
      %add3A_162 = arith.constant 1 : i32
      %add3A_163 = arith.addi %mul3A_161, %add3A_162 : i32
      %swap3A_164 = arith.index_cast %add3A_163 : i32 to index
      %swap3A_165 = arith.constant 112 : index
      %swap3A_166 = tpu.vector_load %arg11[%swap3A_164, %swap3A_165] {strides = array<i32>} : memref<256x128xf32, #tpu.memory_space<vmem>>, vector<16xf32>,
      tpu.vector_store %arg11[%swap3A_164, %swap3A_165], %broadcast_in_dim3A_22 {strides = array<i32>} : memref<256x128xf32, #tpu.memory_space<vmem>>, vector<16xf32>,
      %mul3A_167 = arith.constant 4 : i32
      %mul3A_168 = arith.muli %scan3A_55, %mul3A_167 : i32
      %add3A_169 = arith.constant 2 : i32
      %add3A_170 = arith.addi %mul3A_168, %add3A_169 : i32
      %swap3A_171 = arith.index_cast %add3A_170 : i32 to index
      %swap3A_172 = arith.constant 0 : index
      %swap3A_173 = tpu.vector_load %arg11[%swap3A_171, %swap3A_172] {strides = array<i32>} : memref<256x128xf32, #tpu.memory_space<vmem>>, vector<16xf32>,
      tpu.vector_store %arg11[%swap3A_171, %swap3A_172], %broadcast_in_dim3A_22 {strides = array<i32>} : memref<256x128xf32, #tpu.memory_space<vmem>>, vector<16xf32>,
      %mul3A_174 = arith.constant 4 : i32
      %mul3A_175 = arith.muli %scan3A_55, %mul3A_174 : i32
      %add3A_176 = arith.constant 2 : i32
      %add3A_177 = arith.addi %mul3A_175, %add3A_176 : i32
      %swap3A_178 = arith.index_cast %add3A_177 : i32 to index
      %swap3A_179 = arith.constant 16 : index
      %swap3A_180 = tpu.vector_load %arg11[%swap3A_178, %swap3A_179] {strides = array<i32>} : memref<256x128xf32, #tpu.memory_space<vmem>>, vector<16xf32>,
      tpu.vector_store %arg11[%swap3A_178, %swap3A_179], %broadcast_in_dim3A_22 {strides = array<i32>} : memref<256x128xf32, #tpu.memory_space<vmem>>, vector<16xf32>,
      %mul3A_181 = arith.constant 4 : i32
      %mul3A_182 = arith.muli %scan3A_55, %mul3A_181 : i32
      %add3A_183 = arith.constant 2 : i32
      %add3A_184 = arith.addi %mul3A_182, %add3A_183 : i32
      %swap3A_185 = arith.index_cast %add3A_184 : i32 to index
      %swap3A_186 = arith.constant 32 : index
      %swap3A_187 = tpu.vector_load %arg11[%swap3A_185, %swap3A_186] {strides = array<i32>} : memref<256x128xf32, #tpu.memory_space<vmem>>, vector<16xf32>,
      tpu.vector_store %arg11[%swap3A_185, %swap3A_186], %broadcast_in_dim3A_22 {strides = array<i32>} : memref<256x128xf32, #tpu.memory_space<vmem>>, vector<16xf32>,
      %mul3A_188 = arith.constant 4 : i32
      %mul3A_189 = arith.muli %scan3A_55, %mul3A_188 : i32
      %add3A_190 = arith.constant 2 : i32
      %add3A_191 = arith.addi %mul3A_189, %add3A_190 : i32
      %swap3A_192 = arith.index_cast %add3A_191 : i32 to index
      %swap3A_193 = arith.constant 48 : index
      %swap3A_194 = tpu.vector_load %arg11[%swap3A_192, %swap3A_193] {strides = array<i32>} : memref<256x128xf32, #tpu.memory_space<vmem>>, vector<16xf32>,
      tpu.vector_store %arg11[%swap3A_192, %swap3A_193], %broadcast_in_dim3A_22 {strides = array<i32>} : memref<256x128xf32, #tpu.memory_space<vmem>>, vector<16xf32>,
      %mul3A_195 = arith.constant 4 : i32
      %mul3A_196 = arith.muli %scan3A_55, %mul3A_195 : i32
      %add3A_197 = arith.constant 2 : i32
      %add3A_198 = arith.addi %mul3A_196, %add3A_197 : i32
      %swap3A_199 = arith.index_cast %add3A_198 : i32 to index
      %swap3A_200 = arith.constant 64 : index
      %swap3A_201 = tpu.vector_load %arg11[%swap3A_199, %swap3A_200] {strides = array<i32>} : memref<256x128xf32, #tpu.memory_space<vmem>>, vector<16xf32>,
      tpu.vector_store %arg11[%swap3A_199, %swap3A_200], %broadcast_in_dim3A_22 {strides = array<i32>} : memref<256x128xf32, #tpu.memory_space<vmem>>, vector<16xf32>,
      %mul3A_202 = arith.constant 4 : i32
      %mul3A_203 = arith.muli %scan3A_55, %mul3A_202 : i32
      %add3A_204 = arith.constant 2 : i32
      %add3A_205 = arith.addi %mul3A_203, %add3A_204 : i32
      %swap3A_206 = arith.index_cast %add3A_205 : i32 to index
      %swap3A_207 = arith.constant 80 : index
      %swap3A_208 = tpu.vector_load %arg11[%swap3A_206, %swap3A_207] {strides = array<i32>} : memref<256x128xf32, #tpu.memory_space<vmem>>, vector<16xf32>,
      tpu.vector_store %arg11[%swap3A_206, %swap3A_207], %broadcast_in_dim3A_22 {strides = array<i32>} : memref<256x128xf32, #tpu.memory_space<vmem>>, vector<16xf32>,
      %mul3A_209 = arith.constant 4 : i32
      %mul3A_210 = arith.muli %scan3A_55, %mul3A_209 : i32
      %add3A_211 = arith.constant 2 : i32
      %add3A_212 = arith.addi %mul3A_210, %add3A_211 : i32
      %swap3A_213 = arith.index_cast %add3A_212 : i32 to index
      %swap3A_214 = arith.constant 96 : index
      %swap3A_215 = tpu.vector_load %arg11[%swap3A_213, %swap3A_214] {strides = array<i32>} : memref<256x128xf32, #tpu.memory_space<vmem>>, vector<16xf32>,
      tpu.vector_store %arg11[%swap3A_213, %swap3A_214], %broadcast_in_dim3A_22 {strides = array<i32>} : memref<256x128xf32, #tpu.memory_space<vmem>>, vector<16xf32>,
      %mul3A_216 = arith.constant 4 : i32
      %mul3A_217 = arith.muli %scan3A_55, %mul3A_216 : i32
      %add3A_218 = arith.constant 2 : i32
      %add3A_219 = arith.addi %mul3A_217, %add3A_218 : i32
      %swap3A_220 = arith.index_cast %add3A_219 : i32 to index
      %swap3A_221 = arith.constant 112 : index
      %swap3A_222 = tpu.vector_load %arg11[%swap3A_220, %swap3A_221] {strides = array<i32>} : memref<256x128xf32, #tpu.memory_space<vmem>>, vector<16xf32>,
      tpu.vector_store %arg11[%swap3A_220, %swap3A_221], %broadcast_in_dim3A_22 {strides = array<i32>} : memref<256x128xf32, #tpu.memory_space<vmem>>, vector<16xf32>,
      %mul3A_223 = arith.constant 4 : i32
      %mul3A_224 = arith.muli %scan3A_55, %mul3A_223 : i32
      %add3A_225 = arith.constant 3 : i32
      %add3A_226 = arith.addi %mul3A_224, %add3A_225 : i32
      %swap3A_227 = arith.index_cast %add3A_226 : i32 to index
      %swap3A_228 = arith.constant 0 : index
      %swap3A_229 = tpu.vector_load %arg11[%swap3A_227, %swap3A_228] {strides = array<i32>} : memref<256x128xf32, #tpu.memory_space<vmem>>, vector<16xf32>,
      tpu.vector_store %arg11[%swap3A_227, %swap3A_228], %broadcast_in_dim3A_22 {strides = array<i32>} : memref<256x128xf32, #tpu.memory_space<vmem>>, vector<16xf32>,
      %mul3A_230 = arith.constant 4 : i32
      %mul3A_231 = arith.muli %scan3A_55, %mul3A_230 : i32
      %add3A_232 = arith.constant 3 : i32
      %add3A_233 = arith.addi %mul3A_231, %add3A_232 : i32
      %swap3A_234 = arith.index_cast %add3A_233 : i32 to index
      %swap3A_235 = arith.constant 16 : index
      %swap3A_236 = tpu.vector_load %arg11[%swap3A_234, %swap3A_235] {strides = array<i32>} : memref<256x128xf32, #tpu.memory_space<vmem>>, vector<16xf32>,
      tpu.vector_store %arg11[%swap3A_234, %swap3A_235], %broadcast_in_dim3A_22 {strides = array<i32>} : memref<256x128xf32, #tpu.memory_space<vmem>>, vector<16xf32>,
      %mul3A_237 = arith.constant 4 : i32
      %mul3A_238 = arith.muli %scan3A_55, %mul3A_237 : i32
      %add3A_239 = arith.constant 3 : i32
      %add3A_240 = arith.addi %mul3A_238, %add3A_239 : i32
      %swap3A_241 = arith.index_cast %add3A_240 : i32 to index
      %swap3A_242 = arith.constant 32 : index
      %swap3A_243 = tpu.vector_load %arg11[%swap3A_241, %swap3A_242] {strides = array<i32>} : memref<256x128xf32, #tpu.memory_space<vmem>>, vector<16xf32>,
      tpu.vector_store %arg11[%swap3A_241, %swap3A_242], %broadcast_in_dim3A_22 {strides = array<i32>} : memref<256x128xf32, #tpu.memory_space<vmem>>, vector<16xf32>,
      %mul3A_244 = arith.constant 4 : i32
      %mul3A_245 = arith.muli %scan3A_55, %mul3A_244 : i32
      %add3A_246 = arith.constant 3 : i32
      %add3A_247 = arith.addi %mul3A_245, %add3A_246 : i32
      %swap3A_248 = arith.index_cast %add3A_247 : i32 to index
      %swap3A_249 = arith.constant 48 : index
      %swap3A_250 = tpu.vector_load %arg11[%swap3A_248, %swap3A_249] {strides = array<i32>} : memref<256x128xf32, #tpu.memory_space<vmem>>, vector<16xf32>,
      tpu.vector_store %arg11[%swap3A_248, %swap3A_249], %broadcast_in_dim3A_22 {strides = array<i32>} : memref<256x128xf32, #tpu.memory_space<vmem>>, vector<16xf32>,
      %mul3A_251 = arith.constant 4 : i32
      %mul3A_252 = arith.muli %scan3A_55, %mul3A_251 : i32
      %add3A_253 = arith.constant 3 : i32
      %add3A_254 = arith.addi %mul3A_252, %add3A_253 : i32
      %swap3A_255 = arith.index_cast %add3A_254 : i32 to index
      %swap3A_256 = arith.constant 64 : index
      %swap3A_257 = tpu.vector_load %arg11[%swap3A_255, %swap3A_256] {strides = array<i32>} : memref<256x128xf32, #tpu.memory_space<vmem>>, vector<16xf32>,
      tpu.vector_store %arg11[%swap3A_255, %swap3A_256], %broadcast_in_dim3A_22 {strides = array<i32>} : memref<256x128xf32, #tpu.memory_space<vmem>>, vector<16xf32>,
      %mul3A_258 = arith.constant 4 : i32
      %mul3A_259 = arith.muli %scan3A_55, %mul3A_258 : i32
      %add3A_260 = arith.constant 3 : i32
      %add3A_261 = arith.addi %mul3A_259, %add3A_260 : i32
      %swap3A_262 = arith.index_cast %add3A_261 : i32 to index
      %swap3A_263 = arith.constant 80 : index
      %swap3A_264 = tpu.vector_load %arg11[%swap3A_262, %swap3A_263] {strides = array<i32>} : memref<256x128xf32, #tpu.memory_space<vmem>>, vector<16xf32>,
      tpu.vector_store %arg11[%swap3A_262, %swap3A_263], %broadcast_in_dim3A_22 {strides = array<i32>} : memref<256x128xf32, #tpu.memory_space<vmem>>, vector<16xf32>,
      %mul3A_265 = arith.constant 4 : i32
      %mul3A_266 = arith.muli %scan3A_55, %mul3A_265 : i32
      %add3A_267 = arith.constant 3 : i32
      %add3A_268 = arith.addi %mul3A_266, %add3A_267 : i32
      %swap3A_269 = arith.index_cast %add3A_268 : i32 to index
      %swap3A_270 = arith.constant 96 : index
      %swap3A_271 = tpu.vector_load %arg11[%swap3A_269, %swap3A_270] {strides = array<i32>} : memref<256x128xf32, #tpu.memory_space<vmem>>, vector<16xf32>,
      tpu.vector_store %arg11[%swap3A_269, %swap3A_270], %broadcast_in_dim3A_22 {strides = array<i32>} : memref<256x128xf32, #tpu.memory_space<vmem>>, vector<16xf32>,
      %mul3A_272 = arith.constant 4 : i32
      %mul3A_273 = arith.muli %scan3A_55, %mul3A_272 : i32
      %add3A_274 = arith.constant 3 : i32
      %add3A_275 = arith.addi %mul3A_273, %add3A_274 : i32
      %swap3A_276 = arith.index_cast %add3A_275 : i32 to index
      %swap3A_277 = arith.constant 112 : index
      %swap3A_278 = tpu.vector_load %arg11[%swap3A_276, %swap3A_277] {strides = array<i32>} : memref<256x128xf32, #tpu.memory_space<vmem>>, vector<16xf32>,
      tpu.vector_store %arg11[%swap3A_276, %swap3A_277], %broadcast_in_dim3A_22 {strides = array<i32>} : memref<256x128xf32, #tpu.memory_space<vmem>>, vector<16xf32>,
    }
    %scan3A_27 = arith.constant 64 : i32
    "tpu.region"() ({
      %run_scoped3A = tpu.sem_alloc : memref<!tpu.dma_semaphore, #tpu.memory_space<semaphore_mem>>
      %dma_start3A_55 = tpu.memref_slice %arg5[%mul3A_2] : memref<8192xf32, #tpu.memory_space<hbm>> -> memref<256xf32, #tpu.memory_space<hbm>>
      %dma_start3A_56 = tpu.memref_slice %arg5[%mul3A_2] : memref<8192xf32, #tpu.memory_space<hbm>> -> memref<256xf32, #tpu.memory_space<hbm>>
      tpu.enqueue_dma source(%dma_start3A_56 : memref<256xf32, #tpu.memory_space<hbm>>) target(%arg12 : memref<256xf32, #tpu.memory_space<vmem>>) target_semaphore(%run_scoped3A : memref<!tpu.dma_semaphore, #tpu.memory_space<semaphore_mem>>)
      %dma_wait3A_57 = tpu.memref_slice %arg5[%mul3A_2] : memref<8192xf32, #tpu.memory_space<hbm>> -> memref<256xf32, #tpu.memory_space<hbm>>
      %dma_wait3A_58 = tpu.memref_slice %arg5[%mul3A_2] : memref<8192xf32, #tpu.memory_space<hbm>> -> memref<256xf32, #tpu.memory_space<hbm>>
      tpu.wait_dma2 semaphore(%run_scoped3A : memref<!tpu.dma_semaphore, #tpu.memory_space<semaphore_mem>>) src(%dma_wait3A_58 : memref<256xf32, #tpu.memory_space<hbm>>) dst(%arg12 : memref<256xf32, #tpu.memory_space<vmem>>)
      tpu.yield
    }) : () -> ()
    %broadcast_in_dim3A_28 = arith.constant 127 : i32
    %broadcast_in_dim3A_29 = vector.broadcast %broadcast_in_dim3A_28 : i32 to vector<16xi32>
    %scan3A_30 = arith.constant 0 : i32
    %scan3A_31 = arith.constant 0 : i32
    %scan3A_32 = arith.constant 16 : i32
    %scan3A_33 = arith.addi %scan3A_31, %scan3A_32 : i32
    %scan3A_34 = arith.constant 1 : i32
    scf.for %scan3A_55 = %scan3A_31 to %scan3A_33 step %scan3A_34  : i32 {
      %mul3A_56 = arith.constant 16 : i32
      %mul3A_57 = arith.muli %scan3A_55, %mul3A_56 : i32
      %add3A_58 = vector.broadcast %mul3A_57 : i32 to vector<16xi32>
      %add3A_59 = arith.addi %add3A_58, %iota3A : vector<16xi32>
      %mul3A_60 = arith.constant 16 : i32
      %mul3A_61 = arith.muli %scan3A_55, %mul3A_60 : i32
      %get3A = arith.index_cast %mul3A_61 : i32 to index
      %get3A_62 = tpu.vector_load %arg12[%get3A] {strides = array<i32>} : memref<256xf32, #tpu.memory_space<vmem>>, vector<16xf32>,
      tpu.vector_store_idx %arg11[%add3A_59, %broadcast_in_dim3A_29], %get3A_62 : memref<256x128xf32, #tpu.memory_space<vmem>>[vector<16xi32>, vector<16xi32>], vector<16xf32>,
      %mul3A_63 = arith.constant 16 : i32
      %mul3A_64 = arith.muli %scan3A_55, %mul3A_63 : i32
      %get3A_65 = arith.constant 0 : i32
      %get3A_66 = arith.index_cast %get3A_65 : i32 to index
      %get3A_67 = arith.index_cast %mul3A_64 : i32 to index
      %get3A_68 = tpu.vector_load %arg10[%get3A_66, %get3A_67] {strides = array<i32>} : memref<20x256xi32, #tpu.memory_space<vmem>>, vector<16xi32>,
      %gather3A = tpu.vector_load_idx %arg11[%add3A_59, %get3A_68] : memref<256x128xf32, #tpu.memory_space<vmem>>[vector<16xi32>, vector<16xi32>], vector<16xf32>,
      %add3A_69 = arith.constant 1.000000e+00 : f32
      %add3A_70 = vector.broadcast %add3A_69 : f32 to vector<16xf32>
      %add3A_71 = arith.addf %gather3A, %add3A_70 : vector<16xf32>
      tpu.vector_store_idx %arg11[%add3A_59, %get3A_68], %add3A_71 : memref<256x128xf32, #tpu.memory_space<vmem>>[vector<16xi32>, vector<16xi32>], vector<16xf32>,
      %mul3A_72 = arith.constant 16 : i32
      %mul3A_73 = arith.muli %scan3A_55, %mul3A_72 : i32
      %get3A_74 = arith.constant 1 : i32
      %get3A_75 = arith.index_cast %get3A_74 : i32 to index
      %get3A_76 = arith.index_cast %mul3A_73 : i32 to index
      %get3A_77 = tpu.vector_load %arg10[%get3A_75, %get3A_76] {strides = array<i32>} : memref<20x256xi32, #tpu.memory_space<vmem>>, vector<16xi32>,
      %gather3A_78 = tpu.vector_load_idx %arg11[%add3A_59, %get3A_77] : memref<256x128xf32, #tpu.memory_space<vmem>>[vector<16xi32>, vector<16xi32>], vector<16xf32>,
      %add3A_79 = arith.constant 1.000000e+00 : f32
      %add3A_80 = vector.broadcast %add3A_79 : f32 to vector<16xf32>
      %add3A_81 = arith.addf %gather3A_78, %add3A_80 : vector<16xf32>
      tpu.vector_store_idx %arg11[%add3A_59, %get3A_77], %add3A_81 : memref<256x128xf32, #tpu.memory_space<vmem>>[vector<16xi32>, vector<16xi32>], vector<16xf32>,
      %mul3A_82 = arith.constant 16 : i32
      %mul3A_83 = arith.muli %scan3A_55, %mul3A_82 : i32
      %get3A_84 = arith.constant 2 : i32
      %get3A_85 = arith.index_cast %get3A_84 : i32 to index
      %get3A_86 = arith.index_cast %mul3A_83 : i32 to index
      %get3A_87 = tpu.vector_load %arg10[%get3A_85, %get3A_86] {strides = array<i32>} : memref<20x256xi32, #tpu.memory_space<vmem>>, vector<16xi32>,
      %gather3A_88 = tpu.vector_load_idx %arg11[%add3A_59, %get3A_87] : memref<256x128xf32, #tpu.memory_space<vmem>>[vector<16xi32>, vector<16xi32>], vector<16xf32>,
      %add3A_89 = arith.constant 1.000000e+00 : f32
      %add3A_90 = vector.broadcast %add3A_89 : f32 to vector<16xf32>
      %add3A_91 = arith.addf %gather3A_88, %add3A_90 : vector<16xf32>
      tpu.vector_store_idx %arg11[%add3A_59, %get3A_87], %add3A_91 : memref<256x128xf32, #tpu.memory_space<vmem>>[vector<16xi32>, vector<16xi32>], vector<16xf32>,
      %mul3A_92 = arith.constant 16 : i32
      %mul3A_93 = arith.muli %scan3A_55, %mul3A_92 : i32
      %get3A_94 = arith.constant 3 : i32
      %get3A_95 = arith.index_cast %get3A_94 : i32 to index
      %get3A_96 = arith.index_cast %mul3A_93 : i32 to index
      %get3A_97 = tpu.vector_load %arg10[%get3A_95, %get3A_96] {strides = array<i32>} : memref<20x256xi32, #tpu.memory_space<vmem>>, vector<16xi32>,
      %gather3A_98 = tpu.vector_load_idx %arg11[%add3A_59, %get3A_97] : memref<256x128xf32, #tpu.memory_space<vmem>>[vector<16xi32>, vector<16xi32>], vector<16xf32>,
      %add3A_99 = arith.constant 1.000000e+00 : f32
      %add3A_100 = vector.broadcast %add3A_99 : f32 to vector<16xf32>
      %add3A_101 = arith.addf %gather3A_98, %add3A_100 : vector<16xf32>
      tpu.vector_store_idx %arg11[%add3A_59, %get3A_97], %add3A_101 : memref<256x128xf32, #tpu.memory_space<vmem>>[vector<16xi32>, vector<16xi32>], vector<16xf32>,
      %mul3A_102 = arith.constant 16 : i32
      %mul3A_103 = arith.muli %scan3A_55, %mul3A_102 : i32
      %get3A_104 = arith.constant 4 : i32
      %get3A_105 = arith.index_cast %get3A_104 : i32 to index
      %get3A_106 = arith.index_cast %mul3A_103 : i32 to index
      %get3A_107 = tpu.vector_load %arg10[%get3A_105, %get3A_106] {strides = array<i32>} : memref<20x256xi32, #tpu.memory_space<vmem>>, vector<16xi32>,
      %gather3A_108 = tpu.vector_load_idx %arg11[%add3A_59, %get3A_107] : memref<256x128xf32, #tpu.memory_space<vmem>>[vector<16xi32>, vector<16xi32>], vector<16xf32>,
      %add3A_109 = arith.constant 1.000000e+00 : f32
      %add3A_110 = vector.broadcast %add3A_109 : f32 to vector<16xf32>
      %add3A_111 = arith.addf %gather3A_108, %add3A_110 : vector<16xf32>
      tpu.vector_store_idx %arg11[%add3A_59, %get3A_107], %add3A_111 : memref<256x128xf32, #tpu.memory_space<vmem>>[vector<16xi32>, vector<16xi32>], vector<16xf32>,
      %mul3A_112 = arith.constant 16 : i32
      %mul3A_113 = arith.muli %scan3A_55, %mul3A_112 : i32
      %get3A_114 = arith.constant 5 : i32
      %get3A_115 = arith.index_cast %get3A_114 : i32 to index
      %get3A_116 = arith.index_cast %mul3A_113 : i32 to index
      %get3A_117 = tpu.vector_load %arg10[%get3A_115, %get3A_116] {strides = array<i32>} : memref<20x256xi32, #tpu.memory_space<vmem>>, vector<16xi32>,
      %gather3A_118 = tpu.vector_load_idx %arg11[%add3A_59, %get3A_117] : memref<256x128xf32, #tpu.memory_space<vmem>>[vector<16xi32>, vector<16xi32>], vector<16xf32>,
      %add3A_119 = arith.constant 1.000000e+00 : f32
      %add3A_120 = vector.broadcast %add3A_119 : f32 to vector<16xf32>
      %add3A_121 = arith.addf %gather3A_118, %add3A_120 : vector<16xf32>
      tpu.vector_store_idx %arg11[%add3A_59, %get3A_117], %add3A_121 : memref<256x128xf32, #tpu.memory_space<vmem>>[vector<16xi32>, vector<16xi32>], vector<16xf32>,
      %mul3A_122 = arith.constant 16 : i32
      %mul3A_123 = arith.muli %scan3A_55, %mul3A_122 : i32
      %get3A_124 = arith.constant 6 : i32
      %get3A_125 = arith.index_cast %get3A_124 : i32 to index
      %get3A_126 = arith.index_cast %mul3A_123 : i32 to index
      %get3A_127 = tpu.vector_load %arg10[%get3A_125, %get3A_126] {strides = array<i32>} : memref<20x256xi32, #tpu.memory_space<vmem>>, vector<16xi32>,
      %gather3A_128 = tpu.vector_load_idx %arg11[%add3A_59, %get3A_127] : memref<256x128xf32, #tpu.memory_space<vmem>>[vector<16xi32>, vector<16xi32>], vector<16xf32>,
      %add3A_129 = arith.constant 1.000000e+00 : f32
      %add3A_130 = vector.broadcast %add3A_129 : f32 to vector<16xf32>
      %add3A_131 = arith.addf %gather3A_128, %add3A_130 : vector<16xf32>
      tpu.vector_store_idx %arg11[%add3A_59, %get3A_127], %add3A_131 : memref<256x128xf32, #tpu.memory_space<vmem>>[vector<16xi32>, vector<16xi32>], vector<16xf32>,
      %mul3A_132 = arith.constant 16 : i32
      %mul3A_133 = arith.muli %scan3A_55, %mul3A_132 : i32
      %get3A_134 = arith.constant 7 : i32
      %get3A_135 = arith.index_cast %get3A_134 : i32 to index
      %get3A_136 = arith.index_cast %mul3A_133 : i32 to index
      %get3A_137 = tpu.vector_load %arg10[%get3A_135, %get3A_136] {strides = array<i32>} : memref<20x256xi32, #tpu.memory_space<vmem>>, vector<16xi32>,
      %gather3A_138 = tpu.vector_load_idx %arg11[%add3A_59, %get3A_137] : memref<256x128xf32, #tpu.memory_space<vmem>>[vector<16xi32>, vector<16xi32>], vector<16xf32>,
      %add3A_139 = arith.constant 1.000000e+00 : f32
      %add3A_140 = vector.broadcast %add3A_139 : f32 to vector<16xf32>
      %add3A_141 = arith.addf %gather3A_138, %add3A_140 : vector<16xf32>
      tpu.vector_store_idx %arg11[%add3A_59, %get3A_137], %add3A_141 : memref<256x128xf32, #tpu.memory_space<vmem>>[vector<16xi32>, vector<16xi32>], vector<16xf32>,
      %mul3A_142 = arith.constant 16 : i32
      %mul3A_143 = arith.muli %scan3A_55, %mul3A_142 : i32
      %get3A_144 = arith.constant 8 : i32
      %get3A_145 = arith.index_cast %get3A_144 : i32 to index
      %get3A_146 = arith.index_cast %mul3A_143 : i32 to index
      %get3A_147 = tpu.vector_load %arg10[%get3A_145, %get3A_146] {strides = array<i32>} : memref<20x256xi32, #tpu.memory_space<vmem>>, vector<16xi32>,
      %gather3A_148 = tpu.vector_load_idx %arg11[%add3A_59, %get3A_147] : memref<256x128xf32, #tpu.memory_space<vmem>>[vector<16xi32>, vector<16xi32>], vector<16xf32>,
      %add3A_149 = arith.constant 1.000000e+00 : f32
      %add3A_150 = vector.broadcast %add3A_149 : f32 to vector<16xf32>
      %add3A_151 = arith.addf %gather3A_148, %add3A_150 : vector<16xf32>
      tpu.vector_store_idx %arg11[%add3A_59, %get3A_147], %add3A_151 : memref<256x128xf32, #tpu.memory_space<vmem>>[vector<16xi32>, vector<16xi32>], vector<16xf32>,
      %mul3A_152 = arith.constant 16 : i32
      %mul3A_153 = arith.muli %scan3A_55, %mul3A_152 : i32
      %get3A_154 = arith.constant 9 : i32
      %get3A_155 = arith.index_cast %get3A_154 : i32 to index
      %get3A_156 = arith.index_cast %mul3A_153 : i32 to index
      %get3A_157 = tpu.vector_load %arg10[%get3A_155, %get3A_156] {strides = array<i32>} : memref<20x256xi32, #tpu.memory_space<vmem>>, vector<16xi32>,
      %gather3A_158 = tpu.vector_load_idx %arg11[%add3A_59, %get3A_157] : memref<256x128xf32, #tpu.memory_space<vmem>>[vector<16xi32>, vector<16xi32>], vector<16xf32>,
      %add3A_159 = arith.constant 1.000000e+00 : f32
      %add3A_160 = vector.broadcast %add3A_159 : f32 to vector<16xf32>
      %add3A_161 = arith.addf %gather3A_158, %add3A_160 : vector<16xf32>
      tpu.vector_store_idx %arg11[%add3A_59, %get3A_157], %add3A_161 : memref<256x128xf32, #tpu.memory_space<vmem>>[vector<16xi32>, vector<16xi32>], vector<16xf32>,
      %mul3A_162 = arith.constant 16 : i32
      %mul3A_163 = arith.muli %scan3A_55, %mul3A_162 : i32
      %get3A_164 = arith.constant 10 : i32
      %get3A_165 = arith.index_cast %get3A_164 : i32 to index
      %get3A_166 = arith.index_cast %mul3A_163 : i32 to index
      %get3A_167 = tpu.vector_load %arg10[%get3A_165, %get3A_166] {strides = array<i32>} : memref<20x256xi32, #tpu.memory_space<vmem>>, vector<16xi32>,
      %gather3A_168 = tpu.vector_load_idx %arg11[%add3A_59, %get3A_167] : memref<256x128xf32, #tpu.memory_space<vmem>>[vector<16xi32>, vector<16xi32>], vector<16xf32>,
      %add3A_169 = arith.constant 1.000000e+00 : f32
      %add3A_170 = vector.broadcast %add3A_169 : f32 to vector<16xf32>
      %add3A_171 = arith.addf %gather3A_168, %add3A_170 : vector<16xf32>
      tpu.vector_store_idx %arg11[%add3A_59, %get3A_167], %add3A_171 : memref<256x128xf32, #tpu.memory_space<vmem>>[vector<16xi32>, vector<16xi32>], vector<16xf32>,
      %mul3A_172 = arith.constant 16 : i32
      %mul3A_173 = arith.muli %scan3A_55, %mul3A_172 : i32
      %get3A_174 = arith.constant 11 : i32
      %get3A_175 = arith.index_cast %get3A_174 : i32 to index
      %get3A_176 = arith.index_cast %mul3A_173 : i32 to index
      %get3A_177 = tpu.vector_load %arg10[%get3A_175, %get3A_176] {strides = array<i32>} : memref<20x256xi32, #tpu.memory_space<vmem>>, vector<16xi32>,
      %gather3A_178 = tpu.vector_load_idx %arg11[%add3A_59, %get3A_177] : memref<256x128xf32, #tpu.memory_space<vmem>>[vector<16xi32>, vector<16xi32>], vector<16xf32>,
      %add3A_179 = arith.constant 1.000000e+00 : f32
      %add3A_180 = vector.broadcast %add3A_179 : f32 to vector<16xf32>
      %add3A_181 = arith.addf %gather3A_178, %add3A_180 : vector<16xf32>
      tpu.vector_store_idx %arg11[%add3A_59, %get3A_177], %add3A_181 : memref<256x128xf32, #tpu.memory_space<vmem>>[vector<16xi32>, vector<16xi32>], vector<16xf32>,
      %mul3A_182 = arith.constant 16 : i32
      %mul3A_183 = arith.muli %scan3A_55, %mul3A_182 : i32
      %get3A_184 = arith.constant 12 : i32
      %get3A_185 = arith.index_cast %get3A_184 : i32 to index
      %get3A_186 = arith.index_cast %mul3A_183 : i32 to index
      %get3A_187 = tpu.vector_load %arg10[%get3A_185, %get3A_186] {strides = array<i32>} : memref<20x256xi32, #tpu.memory_space<vmem>>, vector<16xi32>,
      %gather3A_188 = tpu.vector_load_idx %arg11[%add3A_59, %get3A_187] : memref<256x128xf32, #tpu.memory_space<vmem>>[vector<16xi32>, vector<16xi32>], vector<16xf32>,
      %add3A_189 = arith.constant 1.000000e+00 : f32
      %add3A_190 = vector.broadcast %add3A_189 : f32 to vector<16xf32>
      %add3A_191 = arith.addf %gather3A_188, %add3A_190 : vector<16xf32>
      tpu.vector_store_idx %arg11[%add3A_59, %get3A_187], %add3A_191 : memref<256x128xf32, #tpu.memory_space<vmem>>[vector<16xi32>, vector<16xi32>], vector<16xf32>,
      %mul3A_192 = arith.constant 16 : i32
      %mul3A_193 = arith.muli %scan3A_55, %mul3A_192 : i32
      %get3A_194 = arith.constant 13 : i32
      %get3A_195 = arith.index_cast %get3A_194 : i32 to index
      %get3A_196 = arith.index_cast %mul3A_193 : i32 to index
      %get3A_197 = tpu.vector_load %arg10[%get3A_195, %get3A_196] {strides = array<i32>} : memref<20x256xi32, #tpu.memory_space<vmem>>, vector<16xi32>,
      %gather3A_198 = tpu.vector_load_idx %arg11[%add3A_59, %get3A_197] : memref<256x128xf32, #tpu.memory_space<vmem>>[vector<16xi32>, vector<16xi32>], vector<16xf32>,
      %add3A_199 = arith.constant 1.000000e+00 : f32
      %add3A_200 = vector.broadcast %add3A_199 : f32 to vector<16xf32>
      %add3A_201 = arith.addf %gather3A_198, %add3A_200 : vector<16xf32>
      tpu.vector_store_idx %arg11[%add3A_59, %get3A_197], %add3A_201 : memref<256x128xf32, #tpu.memory_space<vmem>>[vector<16xi32>, vector<16xi32>], vector<16xf32>,
      %mul3A_202 = arith.constant 16 : i32
      %mul3A_203 = arith.muli %scan3A_55, %mul3A_202 : i32
      %get3A_204 = arith.constant 14 : i32
      %get3A_205 = arith.index_cast %get3A_204 : i32 to index
      %get3A_206 = arith.index_cast %mul3A_203 : i32 to index
      %get3A_207 = tpu.vector_load %arg10[%get3A_205, %get3A_206] {strides = array<i32>} : memref<20x256xi32, #tpu.memory_space<vmem>>, vector<16xi32>,
      %gather3A_208 = tpu.vector_load_idx %arg11[%add3A_59, %get3A_207] : memref<256x128xf32, #tpu.memory_space<vmem>>[vector<16xi32>, vector<16xi32>], vector<16xf32>,
      %add3A_209 = arith.constant 1.000000e+00 : f32
      %add3A_210 = vector.broadcast %add3A_209 : f32 to vector<16xf32>
      %add3A_211 = arith.addf %gather3A_208, %add3A_210 : vector<16xf32>
      tpu.vector_store_idx %arg11[%add3A_59, %get3A_207], %add3A_211 : memref<256x128xf32, #tpu.memory_space<vmem>>[vector<16xi32>, vector<16xi32>], vector<16xf32>,
      %mul3A_212 = arith.constant 16 : i32
      %mul3A_213 = arith.muli %scan3A_55, %mul3A_212 : i32
      %get3A_214 = arith.constant 15 : i32
      %get3A_215 = arith.index_cast %get3A_214 : i32 to index
      %get3A_216 = arith.index_cast %mul3A_213 : i32 to index
      %get3A_217 = tpu.vector_load %arg10[%get3A_215, %get3A_216] {strides = array<i32>} : memref<20x256xi32, #tpu.memory_space<vmem>>, vector<16xi32>,
      %gather3A_218 = tpu.vector_load_idx %arg11[%add3A_59, %get3A_217] : memref<256x128xf32, #tpu.memory_space<vmem>>[vector<16xi32>, vector<16xi32>], vector<16xf32>,
      %add3A_219 = arith.constant 1.000000e+00 : f32
      %add3A_220 = vector.broadcast %add3A_219 : f32 to vector<16xf32>
      %add3A_221 = arith.addf %gather3A_218, %add3A_220 : vector<16xf32>
      tpu.vector_store_idx %arg11[%add3A_59, %get3A_217], %add3A_221 : memref<256x128xf32, #tpu.memory_space<vmem>>[vector<16xi32>, vector<16xi32>], vector<16xf32>,
      %mul3A_222 = arith.constant 16 : i32
      %mul3A_223 = arith.muli %scan3A_55, %mul3A_222 : i32
      %get3A_224 = arith.constant 16 : i32
      %get3A_225 = arith.index_cast %get3A_224 : i32 to index
      %get3A_226 = arith.index_cast %mul3A_223 : i32 to index
      %get3A_227 = tpu.vector_load %arg10[%get3A_225, %get3A_226] {strides = array<i32>} : memref<20x256xi32, #tpu.memory_space<vmem>>, vector<16xi32>,
      %gather3A_228 = tpu.vector_load_idx %arg11[%add3A_59, %get3A_227] : memref<256x128xf32, #tpu.memory_space<vmem>>[vector<16xi32>, vector<16xi32>], vector<16xf32>,
      %add3A_229 = arith.constant 1.000000e+00 : f32
      %add3A_230 = vector.broadcast %add3A_229 : f32 to vector<16xf32>
      %add3A_231 = arith.addf %gather3A_228, %add3A_230 : vector<16xf32>
      tpu.vector_store_idx %arg11[%add3A_59, %get3A_227], %add3A_231 : memref<256x128xf32, #tpu.memory_space<vmem>>[vector<16xi32>, vector<16xi32>], vector<16xf32>,
      %mul3A_232 = arith.constant 16 : i32
      %mul3A_233 = arith.muli %scan3A_55, %mul3A_232 : i32
      %get3A_234 = arith.constant 17 : i32
      %get3A_235 = arith.index_cast %get3A_234 : i32 to index
      %get3A_236 = arith.index_cast %mul3A_233 : i32 to index
      %get3A_237 = tpu.vector_load %arg10[%get3A_235, %get3A_236] {strides = array<i32>} : memref<20x256xi32, #tpu.memory_space<vmem>>, vector<16xi32>,
      %gather3A_238 = tpu.vector_load_idx %arg11[%add3A_59, %get3A_237] : memref<256x128xf32, #tpu.memory_space<vmem>>[vector<16xi32>, vector<16xi32>], vector<16xf32>,
      %add3A_239 = arith.constant 1.000000e+00 : f32
      %add3A_240 = vector.broadcast %add3A_239 : f32 to vector<16xf32>
      %add3A_241 = arith.addf %gather3A_238, %add3A_240 : vector<16xf32>
      tpu.vector_store_idx %arg11[%add3A_59, %get3A_237], %add3A_241 : memref<256x128xf32, #tpu.memory_space<vmem>>[vector<16xi32>, vector<16xi32>], vector<16xf32>,
      %mul3A_242 = arith.constant 16 : i32
      %mul3A_243 = arith.muli %scan3A_55, %mul3A_242 : i32
      %get3A_244 = arith.constant 18 : i32
      %get3A_245 = arith.index_cast %get3A_244 : i32 to index
      %get3A_246 = arith.index_cast %mul3A_243 : i32 to index
      %get3A_247 = tpu.vector_load %arg10[%get3A_245, %get3A_246] {strides = array<i32>} : memref<20x256xi32, #tpu.memory_space<vmem>>, vector<16xi32>,
      %gather3A_248 = tpu.vector_load_idx %arg11[%add3A_59, %get3A_247] : memref<256x128xf32, #tpu.memory_space<vmem>>[vector<16xi32>, vector<16xi32>], vector<16xf32>,
      %add3A_249 = arith.constant 1.000000e+00 : f32
      %add3A_250 = vector.broadcast %add3A_249 : f32 to vector<16xf32>
      %add3A_251 = arith.addf %gather3A_248, %add3A_250 : vector<16xf32>
      tpu.vector_store_idx %arg11[%add3A_59, %get3A_247], %add3A_251 : memref<256x128xf32, #tpu.memory_space<vmem>>[vector<16xi32>, vector<16xi32>], vector<16xf32>,
      %mul3A_252 = arith.constant 16 : i32
      %mul3A_253 = arith.muli %scan3A_55, %mul3A_252 : i32
      %get3A_254 = arith.constant 19 : i32
      %get3A_255 = arith.index_cast %get3A_254 : i32 to index
      %get3A_256 = arith.index_cast %mul3A_253 : i32 to index
      %get3A_257 = tpu.vector_load %arg10[%get3A_255, %get3A_256] {strides = array<i32>} : memref<20x256xi32, #tpu.memory_space<vmem>>, vector<16xi32>,
      %gather3A_258 = tpu.vector_load_idx %arg11[%add3A_59, %get3A_257] : memref<256x128xf32, #tpu.memory_space<vmem>>[vector<16xi32>, vector<16xi32>], vector<16xf32>,
      %add3A_259 = arith.constant 1.000000e+00 : f32
      %add3A_260 = vector.broadcast %add3A_259 : f32 to vector<16xf32>
      %add3A_261 = arith.addf %gather3A_258, %add3A_260 : vector<16xf32>
      tpu.vector_store_idx %arg11[%add3A_59, %get3A_257], %add3A_261 : memref<256x128xf32, #tpu.memory_space<vmem>>[vector<16xi32>, vector<16xi32>], vector<16xf32>,
    }
    %scan3A_35 = arith.constant 16 : i32
    "tpu.region"() ({
      %run_scoped3A = tpu.sem_alloc : memref<!tpu.dma_semaphore, #tpu.memory_space<semaphore_mem>>
      %dma_start3A_55 = arith.constant 0 : i32
      %dma_start3A_56 = arith.constant 0 : i32
      %dma_start3A_57 = tpu.memref_slice %arg7[%add3A, %dma_start3A_55, %dma_start3A_56] : memref<32x256x128xf32, #tpu.memory_space<hbm>> -> memref<1x256x128xf32, #tpu.memory_space<hbm>>
      %dma_start3A_58 = tpu.memref_squeeze %dma_start3A_57 : memref<1x256x128xf32, #tpu.memory_space<hbm>> -> memref<256x128xf32, #tpu.memory_space<hbm>>
      %dma_start3A_59 = arith.constant 0 : i32
      %dma_start3A_60 = arith.constant 0 : i32
      %dma_start3A_61 = tpu.memref_slice %arg7[%add3A, %dma_start3A_59, %dma_start3A_60] : memref<32x256x128xf32, #tpu.memory_space<hbm>> -> memref<1x256x128xf32, #tpu.memory_space<hbm>>
      %dma_start3A_62 = tpu.memref_squeeze %dma_start3A_61 : memref<1x256x128xf32, #tpu.memory_space<hbm>> -> memref<256x128xf32, #tpu.memory_space<hbm>>
      tpu.enqueue_dma source(%arg11 : memref<256x128xf32, #tpu.memory_space<vmem>>) target(%dma_start3A_62 : memref<256x128xf32, #tpu.memory_space<hbm>>) target_semaphore(%run_scoped3A : memref<!tpu.dma_semaphore, #tpu.memory_space<semaphore_mem>>)
      %dma_wait3A_63 = arith.constant 0 : i32
      %dma_wait3A_64 = arith.constant 0 : i32
      %dma_wait3A_65 = tpu.memref_slice %arg7[%add3A, %dma_wait3A_63, %dma_wait3A_64] : memref<32x256x128xf32, #tpu.memory_space<hbm>> -> memref<1x256x128xf32, #tpu.memory_space<hbm>>
      %dma_wait3A_66 = tpu.memref_squeeze %dma_wait3A_65 : memref<1x256x128xf32, #tpu.memory_space<hbm>> -> memref<256x128xf32, #tpu.memory_space<hbm>>
      %dma_wait3A_67 = arith.constant 0 : i32
      %dma_wait3A_68 = arith.constant 0 : i32
      %dma_wait3A_69 = tpu.memref_slice %arg7[%add3A, %dma_wait3A_67, %dma_wait3A_68] : memref<32x256x128xf32, #tpu.memory_space<hbm>> -> memref<1x256x128xf32, #tpu.memory_space<hbm>>
      %dma_wait3A_70 = tpu.memref_squeeze %dma_wait3A_69 : memref<1x256x128xf32, #tpu.memory_space<hbm>> -> memref<256x128xf32, #tpu.memory_space<hbm>>
      tpu.wait_dma2 semaphore(%run_scoped3A : memref<!tpu.dma_semaphore, #tpu.memory_space<semaphore_mem>>) src(%arg11 : memref<256x128xf32, #tpu.memory_space<vmem>>) dst(%dma_wait3A_70 : memref<256x128xf32, #tpu.memory_space<hbm>>)
      tpu.yield
    }) : () -> ()
    %dma_wait3A = arith.constant 0 : i32
    %dma_wait3A_36 = arith.constant 0 : i32
    %dma_wait3A_37 = arith.constant 0 : i32
    %dma_wait3A_38 = tpu.memref_slice %arg9[%dma_wait3A_36, %dma_wait3A_37] : memref<256x128xf32, #tpu.memory_space<vmem>> -> memref<128x128xf32, #tpu.memory_space<vmem>>
    %dma_wait3A_39 = arith.constant 0 : i32
    %dma_wait3A_40 = tpu.memref_slice %arg8[%dma_wait3A, %dma_wait3A_39] : memref<2x128xi32, #tpu.memory_space<vmem>> -> memref<1x128xi32, #tpu.memory_space<vmem>>
    %dma_wait3A_41 = tpu.memref_squeeze %dma_wait3A_40 : memref<1x128xi32, #tpu.memory_space<vmem>> -> memref<128xi32, #tpu.memory_space<vmem>>
    %dma_wait3A_42 = arith.constant 0 : i32
    %dma_wait3A_43 = arith.constant 0 : i32
    %dma_wait3A_44 = tpu.memref_slice %arg2[%dma_wait3A_42, %dma_wait3A_43] : memref<100000x128xf32, #tpu.memory_space<hbm>> -> memref<100000x128xf32, #tpu.memory_space<hbm>>
    tpu.wait_indirect_dma semaphore(%arg13 : memref<!tpu.dma_semaphore, #tpu.memory_space<semaphore_mem>>) src(%dma_wait3A_44 : memref<100000x128xf32, #tpu.memory_space<hbm>>) dst(%dma_wait3A_38 : memref<128x128xf32, #tpu.memory_space<vmem>>)
    %dma_wait3A_45 = arith.constant 1 : i32
    %dma_wait3A_46 = arith.constant 128 : i32
    %dma_wait3A_47 = arith.constant 0 : i32
    %dma_wait3A_48 = tpu.memref_slice %arg9[%dma_wait3A_46, %dma_wait3A_47] : memref<256x128xf32, #tpu.memory_space<vmem>> -> memref<128x128xf32, #tpu.memory_space<vmem>>
    %dma_wait3A_49 = arith.constant 0 : i32
    %dma_wait3A_50 = tpu.memref_slice %arg8[%dma_wait3A_45, %dma_wait3A_49] : memref<2x128xi32, #tpu.memory_space<vmem>> -> memref<1x128xi32, #tpu.memory_space<vmem>>
    %dma_wait3A_51 = tpu.memref_squeeze %dma_wait3A_50 : memref<1x128xi32, #tpu.memory_space<vmem>> -> memref<128xi32, #tpu.memory_space<vmem>>
    %dma_wait3A_52 = arith.constant 0 : i32
    %dma_wait3A_53 = arith.constant 0 : i32
    %dma_wait3A_54 = tpu.memref_slice %arg2[%dma_wait3A_52, %dma_wait3A_53] : memref<100000x128xf32, #tpu.memory_space<hbm>> -> memref<100000x128xf32, #tpu.memory_space<hbm>>
    tpu.wait_indirect_dma semaphore(%arg13 : memref<!tpu.dma_semaphore, #tpu.memory_space<semaphore_mem>>) src(%dma_wait3A_54 : memref<100000x128xf32, #tpu.memory_space<hbm>>) dst(%dma_wait3A_48 : memref<128x128xf32, #tpu.memory_space<vmem>>)
    "tpu.region"() ({
      %run_scoped3A = tpu.sem_alloc : memref<!tpu.dma_semaphore, #tpu.memory_space<semaphore_mem>>
      %dma_start3A_55 = arith.constant 0 : i32
      %dma_start3A_56 = tpu.memref_slice %arg6[%mul3A_2, %dma_start3A_55] : memref<8192x128xf32, #tpu.memory_space<hbm>> -> memref<256x128xf32, #tpu.memory_space<hbm>>
      %dma_start3A_57 = arith.constant 0 : i32
      %dma_start3A_58 = tpu.memref_slice %arg6[%mul3A_2, %dma_start3A_57] : memref<8192x128xf32, #tpu.memory_space<hbm>> -> memref<256x128xf32, #tpu.memory_space<hbm>>
      tpu.enqueue_dma source(%arg9 : memref<256x128xf32, #tpu.memory_space<vmem>>) target(%dma_start3A_58 : memref<256x128xf32, #tpu.memory_space<hbm>>) target_semaphore(%run_scoped3A : memref<!tpu.dma_semaphore, #tpu.memory_space<semaphore_mem>>)
      %dma_wait3A_59 = arith.constant 0 : i32
      %dma_wait3A_60 = tpu.memref_slice %arg6[%mul3A_2, %dma_wait3A_59] : memref<8192x128xf32, #tpu.memory_space<hbm>> -> memref<256x128xf32, #tpu.memory_space<hbm>>
      %dma_wait3A_61 = arith.constant 0 : i32
      %dma_wait3A_62 = tpu.memref_slice %arg6[%mul3A_2, %dma_wait3A_61] : memref<8192x128xf32, #tpu.memory_space<hbm>> -> memref<256x128xf32, #tpu.memory_space<hbm>>
      tpu.wait_dma2 semaphore(%run_scoped3A : memref<!tpu.dma_semaphore, #tpu.memory_space<semaphore_mem>>) src(%arg9 : memref<256x128xf32, #tpu.memory_space<vmem>>) dst(%dma_wait3A_62 : memref<256x128xf32, #tpu.memory_space<hbm>>)
      tpu.yield
    }) : () -> ()
    return
  }
}

#map = affine_map<(d0, d1) -> (0, 0)>
#map1 = affine_map<(d0, d1) -> (0, 0, 0)>
#map2 = affine_map<(d0, d1) -> (0)>
module attributes {stable_mosaic.version = 14 : i64} {
  func.func @k(%arg0: i32, %arg1: i32, %arg2: memref<100000x128xf32, #tpu.memory_space<hbm>>, %arg3: memref<32x2x128xi32, #tpu.memory_space<hbm>>, %arg4: memref<32x20x256xi32, #tpu.memory_space<hbm>>, %arg5: memref<8192xf32, #tpu.memory_space<hbm>>, %arg6: memref<8192x128xf32, #tpu.memory_space<hbm>>, %arg7: memref<32x256x128xf32, #tpu.memory_space<hbm>>, %arg8: memref<2x128xi32, #tpu.memory_space<vmem>>, %arg9: memref<256x128xf32, #tpu.memory_space<vmem>>, %arg10: memref<20x256xi32, #tpu.memory_space<vmem>>, %arg11: memref<256x128xf32, #tpu.memory_space<vmem>>, %arg12: memref<256xf32, #tpu.memory_space<vmem>>, %arg13: memref<!tpu.dma_semaphore, #tpu.memory_space<semaphore_mem>>) attributes {dimension_semantics = [#tpu.dimension_semantics<core_parallel>, #tpu.dimension_semantics<subcore_parallel>], iteration_bounds = array<i64: 2, 16>, scalar_prefetch = 0 : i64, scratch_operands = 6 : i64, tpu.core_type = #tpu.core_type<sc_vector_subcore>, window_params = [{transform_indices = #map}, {transform_indices = #map1}, {transform_indices = #map1}, {transform_indices = #map2}, {transform_indices = #map}, {transform_indices = #map1}]} {
    %mul3A = arith.constant 2 : i32
    %mul3A_0 = arith.muli %arg1, %mul3A : i32
    %add3A = arith.addi %mul3A_0, %arg0 : i32
    %mul3A_1 = arith.constant 256 : i32
    %mul3A_2 = arith.muli %add3A, %mul3A_1 : i32
    "tpu.region"() ({
      %run_scoped3A = tpu.sem_alloc : memref<!tpu.dma_semaphore, #tpu.memory_space<semaphore_mem>>
      %dma_start3A_55 = arith.constant 0 : i32
      %dma_start3A_56 = arith.constant 0 : i32
      %dma_start3A_57 = tpu.memref_slice %arg3[%add3A, %dma_start3A_55, %dma_start3A_56] : memref<32x2x128xi32, #tpu.memory_space<hbm>> -> memref<1x2x128xi32, #tpu.memory_space<hbm>>
      %dma_start3A_58 = tpu.memref_squeeze %dma_start3A_57 : memref<1x2x128xi32, #tpu.memory_space<hbm>> -> memref<2x128xi32, #tpu.memory_space<hbm>>
      %dma_start3A_59 = arith.constant 0 : i32
      %dma_start3A_60 = arith.constant 0 : i32
      %dma_start3A_61 = tpu.memref_slice %arg3[%add3A, %dma_start3A_59, %dma_start3A_60] : memref<32x2x128xi32, #tpu.memory_space<hbm>> -> memref<1x2x128xi32, #tpu.memory_space<hbm>>
      %dma_start3A_62 = tpu.memref_squeeze %dma_start3A_61 : memref<1x2x128xi32, #tpu.memory_space<hbm>> -> memref<2x128xi32, #tpu.memory_space<hbm>>
      tpu.enqueue_dma source(%dma_start3A_62 : memref<2x128xi32, #tpu.memory_space<hbm>>) target(%arg8 : memref<2x128xi32, #tpu.memory_space<vmem>>) target_semaphore(%run_scoped3A : memref<!tpu.dma_semaphore, #tpu.memory_space<semaphore_mem>>)
      %dma_wait3A_63 = arith.constant 0 : i32
      %dma_wait3A_64 = arith.constant 0 : i32
      %dma_wait3A_65 = tpu.memref_slice %arg3[%add3A, %dma_wait3A_63, %dma_wait3A_64] : memref<32x2x128xi32, #tpu.memory_space<hbm>> -> memref<1x2x128xi32, #tpu.memory_space<hbm>>
      %dma_wait3A_66 = tpu.memref_squeeze %dma_wait3A_65 : memref<1x2x128xi32, #tpu.memory_space<hbm>> -> memref<2x128xi32, #tpu.memory_space<hbm>>
      %dma_wait3A_67 = arith.constant 0 : i32
      %dma_wait3A_68 = arith.constant 0 : i32
      %dma_wait3A_69 = tpu.memref_slice %arg3[%add3A, %dma_wait3A_67, %dma_wait3A_68] : memref<32x2x128xi32, #tpu.memory_space<hbm>> -> memref<1x2x128xi32, #tpu.memory_space<hbm>>
      %dma_wait3A_70 = tpu.memref_squeeze %dma_wait3A_69 : memref<1x2x128xi32, #tpu.memory_space<hbm>> -> memref<2x128xi32, #tpu.memory_space<hbm>>
      tpu.wait_dma2 semaphore(%run_scoped3A : memref<!tpu.dma_semaphore, #tpu.memory_space<semaphore_mem>>) src(%dma_wait3A_70 : memref<2x128xi32, #tpu.memory_space<hbm>>) dst(%arg8 : memref<2x128xi32, #tpu.memory_space<vmem>>)
      tpu.yield
    }) : () -> ()
    %dma_start3A = arith.constant 0 : i32
    %dma_start3A_3 = arith.constant 0 : i32
    %dma_start3A_4 = arith.constant 0 : i32
    %dma_start3A_5 = tpu.memref_slice %arg9[%dma_start3A_3, %dma_start3A_4] : memref<256x128xf32, #tpu.memory_space<vmem>> -> memref<128x128xf32, #tpu.memory_space<vmem>>
    %dma_start3A_6 = arith.constant 0 : i32
    %dma_start3A_7 = tpu.memref_slice %arg8[%dma_start3A, %dma_start3A_6] : memref<2x128xi32, #tpu.memory_space<vmem>> -> memref<1x128xi32, #tpu.memory_space<vmem>>
    %dma_start3A_8 = tpu.memref_squeeze %dma_start3A_7 : memref<1x128xi32, #tpu.memory_space<vmem>> -> memref<128xi32, #tpu.memory_space<vmem>>
    %dma_start3A_9 = arith.constant 0 : i32
    %dma_start3A_10 = arith.constant 0 : i32
    %dma_start3A_11 = tpu.memref_slice %arg2[%dma_start3A_9, %dma_start3A_10] : memref<100000x128xf32, #tpu.memory_space<hbm>> -> memref<100000x128xf32, #tpu.memory_space<hbm>>
    tpu.enqueue_indirect_dma source(%dma_start3A_11 : memref<100000x128xf32, #tpu.memory_space<hbm>>) target(%dma_start3A_5 : memref<128x128xf32, #tpu.memory_space<vmem>>) offsets(%dma_start3A_8 : memref<128xi32, #tpu.memory_space<vmem>>) semaphore(%arg13 : memref<!tpu.dma_semaphore, #tpu.memory_space<semaphore_mem>>)
    %dma_start3A_12 = arith.constant 1 : i32
    %dma_start3A_13 = arith.constant 128 : i32
    %dma_start3A_14 = arith.constant 0 : i32
    %dma_start3A_15 = tpu.memref_slice %arg9[%dma_start3A_13, %dma_start3A_14] : memref<256x128xf32, #tpu.memory_space<vmem>> -> memref<128x128xf32, #tpu.memory_space<vmem>>
    %dma_start3A_16 = arith.constant 0 : i32
    %dma_start3A_17 = tpu.memref_slice %arg8[%dma_start3A_12, %dma_start3A_16] : memref<2x128xi32, #tpu.memory_space<vmem>> -> memref<1x128xi32, #tpu.memory_space<vmem>>
    %dma_start3A_18 = tpu.memref_squeeze %dma_start3A_17 : memref<1x128xi32, #tpu.memory_space<vmem>> -> memref<128xi32, #tpu.memory_space<vmem>>
    %dma_start3A_19 = arith.constant 0 : i32
    %dma_start3A_20 = arith.constant 0 : i32
    %dma_start3A_21 = tpu.memref_slice %arg2[%dma_start3A_19, %dma_start3A_20] : memref<100000x128xf32, #tpu.memory_space<hbm>> -> memref<100000x128xf32, #tpu.memory_space<hbm>>
    tpu.enqueue_indirect_dma source(%dma_start3A_21 : memref<100000x128xf32, #tpu.memory_space<hbm>>) target(%dma_start3A_15 : memref<128x128xf32, #tpu.memory_space<vmem>>) offsets(%dma_start3A_18 : memref<128xi32, #tpu.memory_space<vmem>>) semaphore(%arg13 : memref<!tpu.dma_semaphore, #tpu.memory_space<semaphore_mem>>)
    "tpu.region"() ({
      %run_scoped3A = tpu.sem_alloc : memref<!tpu.dma_semaphore, #tpu.memory_space<semaphore_mem>>
      %dma_start3A_55 = arith.constant 0 : i32
      %dma_start3A_56 = arith.constant 0 : i32
      %dma_start3A_57 = tpu.memref_slice %arg4[%add3A, %dma_start3A_55, %dma_start3A_56] : memref<32x20x256xi32, #tpu.memory_space<hbm>> -> memref<1x20x256xi32, #tpu.memory_space<hbm>>
      %dma_start3A_58 = tpu.memref_squeeze %dma_start3A_57 : memref<1x20x256xi32, #tpu.memory_space<hbm>> -> memref<20x256xi32, #tpu.memory_space<hbm>>
      %dma_start3A_59 = arith.constant 0 : i32
      %dma_start3A_60 = arith.constant 0 : i32
      %dma_start3A_61 = tpu.memref_slice %arg4[%add3A, %dma_start3A_59, %dma_start3A_60] : memref<32x20x256xi32, #tpu.memory_space<hbm>> -> memref<1x20x256xi32, #tpu.memory_space<hbm>>
      %dma_start3A_62 = tpu.memref_squeeze %dma_start3A_61 : memref<1x20x256xi32, #tpu.memory_space<hbm>> -> memref<20x256xi32, #tpu.memory_space<hbm>>
      tpu.enqueue_dma source(%dma_start3A_62 : memref<20x256xi32, #tpu.memory_space<hbm>>) target(%arg10 : memref<20x256xi32, #tpu.memory_space<vmem>>) target_semaphore(%run_scoped3A : memref<!tpu.dma_semaphore, #tpu.memory_space<semaphore_mem>>)
      %dma_wait3A_63 = arith.constant 0 : i32
      %dma_wait3A_64 = arith.constant 0 : i32
      %dma_wait3A_65 = tpu.memref_slice %arg4[%add3A, %dma_wait3A_63, %dma_wait3A_64] : memref<32x20x256xi32, #tpu.memory_space<hbm>> -> memref<1x20x256xi32, #tpu.memory_space<hbm>>
      %dma_wait3A_66 = tpu.memref_squeeze %dma_wait3A_65 : memref<1x20x256xi32, #tpu.memory_space<hbm>> -> memref<20x256xi32, #tpu.memory_space<hbm>>
      %dma_wait3A_67 = arith.constant 0 : i32
      %dma_wait3A_68 = arith.constant 0 : i32
      %dma_wait3A_69 = tpu.memref_slice %arg4[%add3A, %dma_wait3A_67, %dma_wait3A_68] : memref<32x20x256xi32, #tpu.memory_space<hbm>> -> memref<1x20x256xi32, #tpu.memory_space<hbm>>
      %dma_wait3A_70 = tpu.memref_squeeze %dma_wait3A_69 : memref<1x20x256xi32, #tpu.memory_space<hbm>> -> memref<20x256xi32, #tpu.memory_space<hbm>>
      tpu.wait_dma2 semaphore(%run_scoped3A : memref<!tpu.dma_semaphore, #tpu.memory_space<semaphore_mem>>) src(%dma_wait3A_70 : memref<20x256xi32, #tpu.memory_space<hbm>>) dst(%arg10 : memref<20x256xi32, #tpu.memory_space<vmem>>)
      tpu.yield
    }) : () -> ()
    %broadcast_in_dim3A = arith.constant 0.000000e+00 : f32
    %broadcast_in_dim3A_22 = vector.broadcast %broadcast_in_dim3A : f32 to vector<16xf32>
    %iota3A = tpu.iota {dimensions = array<i32: 0>} : vector<16xi32>
    %scan3A = arith.constant 0 : i32
    %scan3A_23 = arith.constant 0 : i32
    %scan3A_24 = arith.constant 64 : i32
    %scan3A_25 = arith.addi %scan3A_23, %scan3A_24 : i32
    %scan3A_26 = arith.constant 1 : i32
    scf.for %scan3A_55 = %scan3A_23 to %scan3A_25 step %scan3A_26  : i32 {
      %mul3A_56 = arith.constant 4 : i32
      %mul3A_57 = arith.muli %scan3A_55, %mul3A_56 : i32
      %add3A_58 = arith.constant 0 : i32
      %add3A_59 = arith.addi %mul3A_57, %add3A_58 : i32
      %swap3A = arith.index_cast %add3A_59 : i32 to index
      %swap3A_60 = arith.constant 0 : index
      %swap3A_61 = tpu.vector_load %arg11[%swap3A, %swap3A_60] {strides = array<i32>} : memref<256x128xf32, #tpu.memory_space<vmem>>, vector<16xf32>,
      tpu.vector_store %arg11[%swap3A, %swap3A_60], %broadcast_in_dim3A_22 {strides = array<i32>} : memref<256x128xf32, #tpu.memory_space<vmem>>, vector<16xf32>,
      %mul3A_62 = arith.constant 4 : i32
      %mul3A_63 = arith.muli %scan3A_55, %mul3A_62 : i32
      %add3A_64 = arith.constant 0 : i32
      %add3A_65 = arith.addi %mul3A_63, %add3A_64 : i32
      %swap3A_66 = arith.index_cast %add3A_65 : i32 to index
      %swap3A_67 = arith.constant 16 : index
      %swap3A_68 = tpu.vector_load %arg11[%swap3A_66, %swap3A_67] {strides = array<i32>} : memref<256x128xf32, #tpu.memory_space<vmem>>, vector<16xf32>,
      tpu.vector_store %arg11[%swap3A_66, %swap3A_67], %broadcast_in_dim3A_22 {strides = array<i32>} : memref<256x128xf32, #tpu.memory_space<vmem>>, vector<16xf32>,
      %mul3A_69 = arith.constant 4 : i32
      %mul3A_70 = arith.muli %scan3A_55, %mul3A_69 : i32
      %add3A_71 = arith.constant 0 : i32
      %add3A_72 = arith.addi %mul3A_70, %add3A_71 : i32
      %swap3A_73 = arith.index_cast %add3A_72 : i32 to index
      %swap3A_74 = arith.constant 32 : index
      %swap3A_75 = tpu.vector_load %arg11[%swap3A_73, %swap3A_74] {strides = array<i32>} : memref<256x128xf32, #tpu.memory_space<vmem>>, vector<16xf32>,
      tpu.vector_store %arg11[%swap3A_73, %swap3A_74], %broadcast_in_dim3A_22 {strides = array<i32>} : memref<256x128xf32, #tpu.memory_space<vmem>>, vector<16xf32>,
      %mul3A_76 = arith.constant 4 : i32
      %mul3A_77 = arith.muli %scan3A_55, %mul3A_76 : i32
      %add3A_78 = arith.constant 0 : i32
      %add3A_79 = arith.addi %mul3A_77, %add3A_78 : i32
      %swap3A_80 = arith.index_cast %add3A_79 : i32 to index
      %swap3A_81 = arith.constant 48 : index
      %swap3A_82 = tpu.vector_load %arg11[%swap3A_80, %swap3A_81] {strides = array<i32>} : memref<256x128xf32, #tpu.memory_space<vmem>>, vector<16xf32>,
      tpu.vector_store %arg11[%swap3A_80, %swap3A_81], %broadcast_in_dim3A_22 {strides = array<i32>} : memref<256x128xf32, #tpu.memory_space<vmem>>, vector<16xf32>,
      %mul3A_83 = arith.constant 4 : i32
      %mul3A_84 = arith.muli %scan3A_55, %mul3A_83 : i32
      %add3A_85 = arith.constant 0 : i32
      %add3A_86 = arith.addi %mul3A_84, %add3A_85 : i32
      %swap3A_87 = arith.index_cast %add3A_86 : i32 to index
      %swap3A_88 = arith.constant 64 : index
      %swap3A_89 = tpu.vector_load %arg11[%swap3A_87, %swap3A_88] {strides = array<i32>} : memref<256x128xf32, #tpu.memory_space<vmem>>, vector<16xf32>,
      tpu.vector_store %arg11[%swap3A_87, %swap3A_88], %broadcast_in_dim3A_22 {strides = array<i32>} : memref<256x128xf32, #tpu.memory_space<vmem>>, vector<16xf32>,
      %mul3A_90 = arith.constant 4 : i32
      %mul3A_91 = arith.muli %scan3A_55, %mul3A_90 : i32
      %add3A_92 = arith.constant 0 : i32
      %add3A_93 = arith.addi %mul3A_91, %add3A_92 : i32
      %swap3A_94 = arith.index_cast %add3A_93 : i32 to index
      %swap3A_95 = arith.constant 80 : index
      %swap3A_96 = tpu.vector_load %arg11[%swap3A_94, %swap3A_95] {strides = array<i32>} : memref<256x128xf32, #tpu.memory_space<vmem>>, vector<16xf32>,
      tpu.vector_store %arg11[%swap3A_94, %swap3A_95], %broadcast_in_dim3A_22 {strides = array<i32>} : memref<256x128xf32, #tpu.memory_space<vmem>>, vector<16xf32>,
      %mul3A_97 = arith.constant 4 : i32
      %mul3A_98 = arith.muli %scan3A_55, %mul3A_97 : i32
      %add3A_99 = arith.constant 0 : i32
      %add3A_100 = arith.addi %mul3A_98, %add3A_99 : i32
      %swap3A_101 = arith.index_cast %add3A_100 : i32 to index
      %swap3A_102 = arith.constant 96 : index
      %swap3A_103 = tpu.vector_load %arg11[%swap3A_101, %swap3A_102] {strides = array<i32>} : memref<256x128xf32, #tpu.memory_space<vmem>>, vector<16xf32>,
      tpu.vector_store %arg11[%swap3A_101, %swap3A_102], %broadcast_in_dim3A_22 {strides = array<i32>} : memref<256x128xf32, #tpu.memory_space<vmem>>, vector<16xf32>,
      %mul3A_104 = arith.constant 4 : i32
      %mul3A_105 = arith.muli %scan3A_55, %mul3A_104 : i32
      %add3A_106 = arith.constant 0 : i32
      %add3A_107 = arith.addi %mul3A_105, %add3A_106 : i32
      %swap3A_108 = arith.index_cast %add3A_107 : i32 to index
      %swap3A_109 = arith.constant 112 : index
      %swap3A_110 = tpu.vector_load %arg11[%swap3A_108, %swap3A_109] {strides = array<i32>} : memref<256x128xf32, #tpu.memory_space<vmem>>, vector<16xf32>,
      tpu.vector_store %arg11[%swap3A_108, %swap3A_109], %broadcast_in_dim3A_22 {strides = array<i32>} : memref<256x128xf32, #tpu.memory_space<vmem>>, vector<16xf32>,
      %mul3A_111 = arith.constant 4 : i32
      %mul3A_112 = arith.muli %scan3A_55, %mul3A_111 : i32
      %add3A_113 = arith.constant 1 : i32
      %add3A_114 = arith.addi %mul3A_112, %add3A_113 : i32
      %swap3A_115 = arith.index_cast %add3A_114 : i32 to index
      %swap3A_116 = arith.constant 0 : index
      %swap3A_117 = tpu.vector_load %arg11[%swap3A_115, %swap3A_116] {strides = array<i32>} : memref<256x128xf32, #tpu.memory_space<vmem>>, vector<16xf32>,
      tpu.vector_store %arg11[%swap3A_115, %swap3A_116], %broadcast_in_dim3A_22 {strides = array<i32>} : memref<256x128xf32, #tpu.memory_space<vmem>>, vector<16xf32>,
      %mul3A_118 = arith.constant 4 : i32
      %mul3A_119 = arith.muli %scan3A_55, %mul3A_118 : i32
      %add3A_120 = arith.constant 1 : i32
      %add3A_121 = arith.addi %mul3A_119, %add3A_120 : i32
      %swap3A_122 = arith.index_cast %add3A_121 : i32 to index
      %swap3A_123 = arith.constant 16 : index
      %swap3A_124 = tpu.vector_load %arg11[%swap3A_122, %swap3A_123] {strides = array<i32>} : memref<256x128xf32, #tpu.memory_space<vmem>>, vector<16xf32>,
      tpu.vector_store %arg11[%swap3A_122, %swap3A_123], %broadcast_in_dim3A_22 {strides = array<i32>} : memref<256x128xf32, #tpu.memory_space<vmem>>, vector<16xf32>,
      %mul3A_125 = arith.constant 4 : i32
      %mul3A_126 = arith.muli %scan3A_55, %mul3A_125 : i32
      %add3A_127 = arith.constant 1 : i32
      %add3A_128 = arith.addi %mul3A_126, %add3A_127 : i32
      %swap3A_129 = arith.index_cast %add3A_128 : i32 to index
      %swap3A_130 = arith.constant 32 : index
      %swap3A_131 = tpu.vector_load %arg11[%swap3A_129, %swap3A_130] {strides = array<i32>} : memref<256x128xf32, #tpu.memory_space<vmem>>, vector<16xf32>,
      tpu.vector_store %arg11[%swap3A_129, %swap3A_130], %broadcast_in_dim3A_22 {strides = array<i32>} : memref<256x128xf32, #tpu.memory_space<vmem>>, vector<16xf32>,
      %mul3A_132 = arith.constant 4 : i32
      %mul3A_133 = arith.muli %scan3A_55, %mul3A_132 : i32
      %add3A_134 = arith.constant 1 : i32
      %add3A_135 = arith.addi %mul3A_133, %add3A_134 : i32
      %swap3A_136 = arith.index_cast %add3A_135 : i32 to index
      %swap3A_137 = arith.constant 48 : index
      %swap3A_138 = tpu.vector_load %arg11[%swap3A_136, %swap3A_137] {strides = array<i32>} : memref<256x128xf32, #tpu.memory_space<vmem>>, vector<16xf32>,
      tpu.vector_store %arg11[%swap3A_136, %swap3A_137], %broadcast_in_dim3A_22 {strides = array<i32>} : memref<256x128xf32, #tpu.memory_space<vmem>>, vector<16xf32>,
      %mul3A_139 = arith.constant 4 : i32
      %mul3A_140 = arith.muli %scan3A_55, %mul3A_139 : i32
      %add3A_141 = arith.constant 1 : i32
      %add3A_142 = arith.addi %mul3A_140, %add3A_141 : i32
      %swap3A_143 = arith.index_cast %add3A_142 : i32 to index
      %swap3A_144 = arith.constant 64 : index
      %swap3A_145 = tpu.vector_load %arg11[%swap3A_143, %swap3A_144] {strides = array<i32>} : memref<256x128xf32, #tpu.memory_space<vmem>>, vector<16xf32>,
      tpu.vector_store %arg11[%swap3A_143, %swap3A_144], %broadcast_in_dim3A_22 {strides = array<i32>} : memref<256x128xf32, #tpu.memory_space<vmem>>, vector<16xf32>,
      %mul3A_146 = arith.constant 4 : i32
      %mul3A_147 = arith.muli %scan3A_55, %mul3A_146 : i32
      %add3A_148 = arith.constant 1 : i32
      %add3A_149 = arith.addi %mul3A_147, %add3A_148 : i32
      %swap3A_150 = arith.index_cast %add3A_149 : i32 to index
      %swap3A_151 = arith.constant 80 : index
      %swap3A_152 = tpu.vector_load %arg11[%swap3A_150, %swap3A_151] {strides = array<i32>} : memref<256x128xf32, #tpu.memory_space<vmem>>, vector<16xf32>,
      tpu.vector_store %arg11[%swap3A_150, %swap3A_151], %broadcast_in_dim3A_22 {strides = array<i32>} : memref<256x128xf32, #tpu.memory_space<vmem>>, vector<16xf32>,
      %mul3A_153 = arith.constant 4 : i32
      %mul3A_154 = arith.muli %scan3A_55, %mul3A_153 : i32
      %add3A_155 = arith.constant 1 : i32
      %add3A_156 = arith.addi %mul3A_154, %add3A_155 : i32
      %swap3A_157 = arith.index_cast %add3A_156 : i32 to index
      %swap3A_158 = arith.constant 96 : index
      %swap3A_159 = tpu.vector_load %arg11[%swap3A_157, %swap3A_158] {strides = array<i32>} : memref<256x128xf32, #tpu.memory_space<vmem>>, vector<16xf32>,
      tpu.vector_store %arg11[%swap3A_157, %swap3A_158], %broadcast_in_dim3A_22 {strides = array<i32>} : memref<256x128xf32, #tpu.memory_space<vmem>>, vector<16xf32>,
      %mul3A_160 = arith.constant 4 : i32
      %mul3A_161 = arith.muli %scan3A_55, %mul3A_160 : i32
      %add3A_162 = arith.constant 1 : i32
      %add3A_163 = arith.addi %mul3A_161, %add3A_162 : i32
      %swap3A_164 = arith.index_cast %add3A_163 : i32 to index
      %swap3A_165 = arith.constant 112 : index
      %swap3A_166 = tpu.vector_load %arg11[%swap3A_164, %swap3A_165] {strides = array<i32>} : memref<256x128xf32, #tpu.memory_space<vmem>>, vector<16xf32>,
      tpu.vector_store %arg11[%swap3A_164, %swap3A_165], %broadcast_in_dim3A_22 {strides = array<i32>} : memref<256x128xf32, #tpu.memory_space<vmem>>, vector<16xf32>,
      %mul3A_167 = arith.constant 4 : i32
      %mul3A_168 = arith.muli %scan3A_55, %mul3A_167 : i32
      %add3A_169 = arith.constant 2 : i32
      %add3A_170 = arith.addi %mul3A_168, %add3A_169 : i32
      %swap3A_171 = arith.index_cast %add3A_170 : i32 to index
      %swap3A_172 = arith.constant 0 : index
      %swap3A_173 = tpu.vector_load %arg11[%swap3A_171, %swap3A_172] {strides = array<i32>} : memref<256x128xf32, #tpu.memory_space<vmem>>, vector<16xf32>,
      tpu.vector_store %arg11[%swap3A_171, %swap3A_172], %broadcast_in_dim3A_22 {strides = array<i32>} : memref<256x128xf32, #tpu.memory_space<vmem>>, vector<16xf32>,
      %mul3A_174 = arith.constant 4 : i32
      %mul3A_175 = arith.muli %scan3A_55, %mul3A_174 : i32
      %add3A_176 = arith.constant 2 : i32
      %add3A_177 = arith.addi %mul3A_175, %add3A_176 : i32
      %swap3A_178 = arith.index_cast %add3A_177 : i32 to index
      %swap3A_179 = arith.constant 16 : index
      %swap3A_180 = tpu.vector_load %arg11[%swap3A_178, %swap3A_179] {strides = array<i32>} : memref<256x128xf32, #tpu.memory_space<vmem>>, vector<16xf32>,
      tpu.vector_store %arg11[%swap3A_178, %swap3A_179], %broadcast_in_dim3A_22 {strides = array<i32>} : memref<256x128xf32, #tpu.memory_space<vmem>>, vector<16xf32>,
      %mul3A_181 = arith.constant 4 : i32
      %mul3A_182 = arith.muli %scan3A_55, %mul3A_181 : i32
      %add3A_183 = arith.constant 2 : i32
      %add3A_184 = arith.addi %mul3A_182, %add3A_183 : i32
      %swap3A_185 = arith.index_cast %add3A_184 : i32 to index
      %swap3A_186 = arith.constant 32 : index
      %swap3A_187 = tpu.vector_load %arg11[%swap3A_185, %swap3A_186] {strides = array<i32>} : memref<256x128xf32, #tpu.memory_space<vmem>>, vector<16xf32>,
      tpu.vector_store %arg11[%swap3A_185, %swap3A_186], %broadcast_in_dim3A_22 {strides = array<i32>} : memref<256x128xf32, #tpu.memory_space<vmem>>, vector<16xf32>,
      %mul3A_188 = arith.constant 4 : i32
      %mul3A_189 = arith.muli %scan3A_55, %mul3A_188 : i32
      %add3A_190 = arith.constant 2 : i32
      %add3A_191 = arith.addi %mul3A_189, %add3A_190 : i32
      %swap3A_192 = arith.index_cast %add3A_191 : i32 to index
      %swap3A_193 = arith.constant 48 : index
      %swap3A_194 = tpu.vector_load %arg11[%swap3A_192, %swap3A_193] {strides = array<i32>} : memref<256x128xf32, #tpu.memory_space<vmem>>, vector<16xf32>,
      tpu.vector_store %arg11[%swap3A_192, %swap3A_193], %broadcast_in_dim3A_22 {strides = array<i32>} : memref<256x128xf32, #tpu.memory_space<vmem>>, vector<16xf32>,
      %mul3A_195 = arith.constant 4 : i32
      %mul3A_196 = arith.muli %scan3A_55, %mul3A_195 : i32
      %add3A_197 = arith.constant 2 : i32
      %add3A_198 = arith.addi %mul3A_196, %add3A_197 : i32
      %swap3A_199 = arith.index_cast %add3A_198 : i32 to index
      %swap3A_200 = arith.constant 64 : index
      %swap3A_201 = tpu.vector_load %arg11[%swap3A_199, %swap3A_200] {strides = array<i32>} : memref<256x128xf32, #tpu.memory_space<vmem>>, vector<16xf32>,
      tpu.vector_store %arg11[%swap3A_199, %swap3A_200], %broadcast_in_dim3A_22 {strides = array<i32>} : memref<256x128xf32, #tpu.memory_space<vmem>>, vector<16xf32>,
      %mul3A_202 = arith.constant 4 : i32
      %mul3A_203 = arith.muli %scan3A_55, %mul3A_202 : i32
      %add3A_204 = arith.constant 2 : i32
      %add3A_205 = arith.addi %mul3A_203, %add3A_204 : i32
      %swap3A_206 = arith.index_cast %add3A_205 : i32 to index
      %swap3A_207 = arith.constant 80 : index
      %swap3A_208 = tpu.vector_load %arg11[%swap3A_206, %swap3A_207] {strides = array<i32>} : memref<256x128xf32, #tpu.memory_space<vmem>>, vector<16xf32>,
      tpu.vector_store %arg11[%swap3A_206, %swap3A_207], %broadcast_in_dim3A_22 {strides = array<i32>} : memref<256x128xf32, #tpu.memory_space<vmem>>, vector<16xf32>,
      %mul3A_209 = arith.constant 4 : i32
      %mul3A_210 = arith.muli %scan3A_55, %mul3A_209 : i32
      %add3A_211 = arith.constant 2 : i32
      %add3A_212 = arith.addi %mul3A_210, %add3A_211 : i32
      %swap3A_213 = arith.index_cast %add3A_212 : i32 to index
      %swap3A_214 = arith.constant 96 : index
      %swap3A_215 = tpu.vector_load %arg11[%swap3A_213, %swap3A_214] {strides = array<i32>} : memref<256x128xf32, #tpu.memory_space<vmem>>, vector<16xf32>,
      tpu.vector_store %arg11[%swap3A_213, %swap3A_214], %broadcast_in_dim3A_22 {strides = array<i32>} : memref<256x128xf32, #tpu.memory_space<vmem>>, vector<16xf32>,
      %mul3A_216 = arith.constant 4 : i32
      %mul3A_217 = arith.muli %scan3A_55, %mul3A_216 : i32
      %add3A_218 = arith.constant 2 : i32
      %add3A_219 = arith.addi %mul3A_217, %add3A_218 : i32
      %swap3A_220 = arith.index_cast %add3A_219 : i32 to index
      %swap3A_221 = arith.constant 112 : index
      %swap3A_222 = tpu.vector_load %arg11[%swap3A_220, %swap3A_221] {strides = array<i32>} : memref<256x128xf32, #tpu.memory_space<vmem>>, vector<16xf32>,
      tpu.vector_store %arg11[%swap3A_220, %swap3A_221], %broadcast_in_dim3A_22 {strides = array<i32>} : memref<256x128xf32, #tpu.memory_space<vmem>>, vector<16xf32>,
      %mul3A_223 = arith.constant 4 : i32
      %mul3A_224 = arith.muli %scan3A_55, %mul3A_223 : i32
      %add3A_225 = arith.constant 3 : i32
      %add3A_226 = arith.addi %mul3A_224, %add3A_225 : i32
      %swap3A_227 = arith.index_cast %add3A_226 : i32 to index
      %swap3A_228 = arith.constant 0 : index
      %swap3A_229 = tpu.vector_load %arg11[%swap3A_227, %swap3A_228] {strides = array<i32>} : memref<256x128xf32, #tpu.memory_space<vmem>>, vector<16xf32>,
      tpu.vector_store %arg11[%swap3A_227, %swap3A_228], %broadcast_in_dim3A_22 {strides = array<i32>} : memref<256x128xf32, #tpu.memory_space<vmem>>, vector<16xf32>,
      %mul3A_230 = arith.constant 4 : i32
      %mul3A_231 = arith.muli %scan3A_55, %mul3A_230 : i32
      %add3A_232 = arith.constant 3 : i32
      %add3A_233 = arith.addi %mul3A_231, %add3A_232 : i32
      %swap3A_234 = arith.index_cast %add3A_233 : i32 to index
      %swap3A_235 = arith.constant 16 : index
      %swap3A_236 = tpu.vector_load %arg11[%swap3A_234, %swap3A_235] {strides = array<i32>} : memref<256x128xf32, #tpu.memory_space<vmem>>, vector<16xf32>,
      tpu.vector_store %arg11[%swap3A_234, %swap3A_235], %broadcast_in_dim3A_22 {strides = array<i32>} : memref<256x128xf32, #tpu.memory_space<vmem>>, vector<16xf32>,
      %mul3A_237 = arith.constant 4 : i32
      %mul3A_238 = arith.muli %scan3A_55, %mul3A_237 : i32
      %add3A_239 = arith.constant 3 : i32
      %add3A_240 = arith.addi %mul3A_238, %add3A_239 : i32
      %swap3A_241 = arith.index_cast %add3A_240 : i32 to index
      %swap3A_242 = arith.constant 32 : index
      %swap3A_243 = tpu.vector_load %arg11[%swap3A_241, %swap3A_242] {strides = array<i32>} : memref<256x128xf32, #tpu.memory_space<vmem>>, vector<16xf32>,
      tpu.vector_store %arg11[%swap3A_241, %swap3A_242], %broadcast_in_dim3A_22 {strides = array<i32>} : memref<256x128xf32, #tpu.memory_space<vmem>>, vector<16xf32>,
      %mul3A_244 = arith.constant 4 : i32
      %mul3A_245 = arith.muli %scan3A_55, %mul3A_244 : i32
      %add3A_246 = arith.constant 3 : i32
      %add3A_247 = arith.addi %mul3A_245, %add3A_246 : i32
      %swap3A_248 = arith.index_cast %add3A_247 : i32 to index
      %swap3A_249 = arith.constant 48 : index
      %swap3A_250 = tpu.vector_load %arg11[%swap3A_248, %swap3A_249] {strides = array<i32>} : memref<256x128xf32, #tpu.memory_space<vmem>>, vector<16xf32>,
      tpu.vector_store %arg11[%swap3A_248, %swap3A_249], %broadcast_in_dim3A_22 {strides = array<i32>} : memref<256x128xf32, #tpu.memory_space<vmem>>, vector<16xf32>,
      %mul3A_251 = arith.constant 4 : i32
      %mul3A_252 = arith.muli %scan3A_55, %mul3A_251 : i32
      %add3A_253 = arith.constant 3 : i32
      %add3A_254 = arith.addi %mul3A_252, %add3A_253 : i32
      %swap3A_255 = arith.index_cast %add3A_254 : i32 to index
      %swap3A_256 = arith.constant 64 : index
      %swap3A_257 = tpu.vector_load %arg11[%swap3A_255, %swap3A_256] {strides = array<i32>} : memref<256x128xf32, #tpu.memory_space<vmem>>, vector<16xf32>,
      tpu.vector_store %arg11[%swap3A_255, %swap3A_256], %broadcast_in_dim3A_22 {strides = array<i32>} : memref<256x128xf32, #tpu.memory_space<vmem>>, vector<16xf32>,
      %mul3A_258 = arith.constant 4 : i32
      %mul3A_259 = arith.muli %scan3A_55, %mul3A_258 : i32
      %add3A_260 = arith.constant 3 : i32
      %add3A_261 = arith.addi %mul3A_259, %add3A_260 : i32
      %swap3A_262 = arith.index_cast %add3A_261 : i32 to index
      %swap3A_263 = arith.constant 80 : index
      %swap3A_264 = tpu.vector_load %arg11[%swap3A_262, %swap3A_263] {strides = array<i32>} : memref<256x128xf32, #tpu.memory_space<vmem>>, vector<16xf32>,
      tpu.vector_store %arg11[%swap3A_262, %swap3A_263], %broadcast_in_dim3A_22 {strides = array<i32>} : memref<256x128xf32, #tpu.memory_space<vmem>>, vector<16xf32>,
      %mul3A_265 = arith.constant 4 : i32
      %mul3A_266 = arith.muli %scan3A_55, %mul3A_265 : i32
      %add3A_267 = arith.constant 3 : i32
      %add3A_268 = arith.addi %mul3A_266, %add3A_267 : i32
      %swap3A_269 = arith.index_cast %add3A_268 : i32 to index
      %swap3A_270 = arith.constant 96 : index
      %swap3A_271 = tpu.vector_load %arg11[%swap3A_269, %swap3A_270] {strides = array<i32>} : memref<256x128xf32, #tpu.memory_space<vmem>>, vector<16xf32>,
      tpu.vector_store %arg11[%swap3A_269, %swap3A_270], %broadcast_in_dim3A_22 {strides = array<i32>} : memref<256x128xf32, #tpu.memory_space<vmem>>, vector<16xf32>,
      %mul3A_272 = arith.constant 4 : i32
      %mul3A_273 = arith.muli %scan3A_55, %mul3A_272 : i32
      %add3A_274 = arith.constant 3 : i32
      %add3A_275 = arith.addi %mul3A_273, %add3A_274 : i32
      %swap3A_276 = arith.index_cast %add3A_275 : i32 to index
      %swap3A_277 = arith.constant 112 : index
      %swap3A_278 = tpu.vector_load %arg11[%swap3A_276, %swap3A_277] {strides = array<i32>} : memref<256x128xf32, #tpu.memory_space<vmem>>, vector<16xf32>,
      tpu.vector_store %arg11[%swap3A_276, %swap3A_277], %broadcast_in_dim3A_22 {strides = array<i32>} : memref<256x128xf32, #tpu.memory_space<vmem>>, vector<16xf32>,
    }
    %scan3A_27 = arith.constant 64 : i32
    "tpu.region"() ({
      %run_scoped3A = tpu.sem_alloc : memref<!tpu.dma_semaphore, #tpu.memory_space<semaphore_mem>>
      %dma_start3A_55 = tpu.memref_slice %arg5[%mul3A_2] : memref<8192xf32, #tpu.memory_space<hbm>> -> memref<256xf32, #tpu.memory_space<hbm>>
      %dma_start3A_56 = tpu.memref_slice %arg5[%mul3A_2] : memref<8192xf32, #tpu.memory_space<hbm>> -> memref<256xf32, #tpu.memory_space<hbm>>
      tpu.enqueue_dma source(%dma_start3A_56 : memref<256xf32, #tpu.memory_space<hbm>>) target(%arg12 : memref<256xf32, #tpu.memory_space<vmem>>) target_semaphore(%run_scoped3A : memref<!tpu.dma_semaphore, #tpu.memory_space<semaphore_mem>>)
      %dma_wait3A_57 = tpu.memref_slice %arg5[%mul3A_2] : memref<8192xf32, #tpu.memory_space<hbm>> -> memref<256xf32, #tpu.memory_space<hbm>>
      %dma_wait3A_58 = tpu.memref_slice %arg5[%mul3A_2] : memref<8192xf32, #tpu.memory_space<hbm>> -> memref<256xf32, #tpu.memory_space<hbm>>
      tpu.wait_dma2 semaphore(%run_scoped3A : memref<!tpu.dma_semaphore, #tpu.memory_space<semaphore_mem>>) src(%dma_wait3A_58 : memref<256xf32, #tpu.memory_space<hbm>>) dst(%arg12 : memref<256xf32, #tpu.memory_space<vmem>>)
      tpu.yield
    }) : () -> ()
    %broadcast_in_dim3A_28 = arith.constant 127 : i32
    %broadcast_in_dim3A_29 = vector.broadcast %broadcast_in_dim3A_28 : i32 to vector<16xi32>
    %scan3A_30 = arith.constant 0 : i32
    %scan3A_31 = arith.constant 0 : i32
    %scan3A_32 = arith.constant 16 : i32
    %scan3A_33 = arith.addi %scan3A_31, %scan3A_32 : i32
    %scan3A_34 = arith.constant 1 : i32
    scf.for %scan3A_55 = %scan3A_31 to %scan3A_33 step %scan3A_34  : i32 {
      %mul3A_56 = arith.constant 16 : i32
      %mul3A_57 = arith.muli %scan3A_55, %mul3A_56 : i32
      %add3A_58 = vector.broadcast %mul3A_57 : i32 to vector<16xi32>
      %add3A_59 = arith.addi %add3A_58, %iota3A : vector<16xi32>
      %mul3A_60 = arith.constant 16 : i32
      %mul3A_61 = arith.muli %scan3A_55, %mul3A_60 : i32
      %get3A = arith.index_cast %mul3A_61 : i32 to index
      %get3A_62 = tpu.vector_load %arg12[%get3A] {strides = array<i32>} : memref<256xf32, #tpu.memory_space<vmem>>, vector<16xf32>,
      tpu.vector_store_idx %arg11[%add3A_59, %broadcast_in_dim3A_29], %get3A_62 : memref<256x128xf32, #tpu.memory_space<vmem>>[vector<16xi32>, vector<16xi32>], vector<16xf32>,
      %mul3A_63 = arith.constant 16 : i32
      %mul3A_64 = arith.muli %scan3A_55, %mul3A_63 : i32
      %get3A_65 = arith.constant 0 : i32
      %get3A_66 = arith.index_cast %get3A_65 : i32 to index
      %get3A_67 = arith.index_cast %mul3A_64 : i32 to index
      %get3A_68 = tpu.vector_load %arg10[%get3A_66, %get3A_67] {strides = array<i32>} : memref<20x256xi32, #tpu.memory_space<vmem>>, vector<16xi32>,
      %gather3A = tpu.vector_load_idx %arg11[%add3A_59, %get3A_68] : memref<256x128xf32, #tpu.memory_space<vmem>>[vector<16xi32>, vector<16xi32>], vector<16xf32>,
      %add3A_69 = arith.constant 1.000000e+00 : f32
      %add3A_70 = vector.broadcast %add3A_69 : f32 to vector<16xf32>
      %add3A_71 = arith.addf %gather3A, %add3A_70 : vector<16xf32>
      tpu.vector_store_idx %arg11[%add3A_59, %get3A_68], %add3A_71 : memref<256x128xf32, #tpu.memory_space<vmem>>[vector<16xi32>, vector<16xi32>], vector<16xf32>,
      %mul3A_72 = arith.constant 16 : i32
      %mul3A_73 = arith.muli %scan3A_55, %mul3A_72 : i32
      %get3A_74 = arith.constant 1 : i32
      %get3A_75 = arith.index_cast %get3A_74 : i32 to index
      %get3A_76 = arith.index_cast %mul3A_73 : i32 to index
      %get3A_77 = tpu.vector_load %arg10[%get3A_75, %get3A_76] {strides = array<i32>} : memref<20x256xi32, #tpu.memory_space<vmem>>, vector<16xi32>,
      %gather3A_78 = tpu.vector_load_idx %arg11[%add3A_59, %get3A_77] : memref<256x128xf32, #tpu.memory_space<vmem>>[vector<16xi32>, vector<16xi32>], vector<16xf32>,
      %add3A_79 = arith.constant 1.000000e+00 : f32
      %add3A_80 = vector.broadcast %add3A_79 : f32 to vector<16xf32>
      %add3A_81 = arith.addf %gather3A_78, %add3A_80 : vector<16xf32>
      tpu.vector_store_idx %arg11[%add3A_59, %get3A_77], %add3A_81 : memref<256x128xf32, #tpu.memory_space<vmem>>[vector<16xi32>, vector<16xi32>], vector<16xf32>,
      %mul3A_82 = arith.constant 16 : i32
      %mul3A_83 = arith.muli %scan3A_55, %mul3A_82 : i32
      %get3A_84 = arith.constant 2 : i32
      %get3A_85 = arith.index_cast %get3A_84 : i32 to index
      %get3A_86 = arith.index_cast %mul3A_83 : i32 to index
      %get3A_87 = tpu.vector_load %arg10[%get3A_85, %get3A_86] {strides = array<i32>} : memref<20x256xi32, #tpu.memory_space<vmem>>, vector<16xi32>,
      %gather3A_88 = tpu.vector_load_idx %arg11[%add3A_59, %get3A_87] : memref<256x128xf32, #tpu.memory_space<vmem>>[vector<16xi32>, vector<16xi32>], vector<16xf32>,
      %add3A_89 = arith.constant 1.000000e+00 : f32
      %add3A_90 = vector.broadcast %add3A_89 : f32 to vector<16xf32>
      %add3A_91 = arith.addf %gather3A_88, %add3A_90 : vector<16xf32>
      tpu.vector_store_idx %arg11[%add3A_59, %get3A_87], %add3A_91 : memref<256x128xf32, #tpu.memory_space<vmem>>[vector<16xi32>, vector<16xi32>], vector<16xf32>,
      %mul3A_92 = arith.constant 16 : i32
      %mul3A_93 = arith.muli %scan3A_55, %mul3A_92 : i32
      %get3A_94 = arith.constant 3 : i32
      %get3A_95 = arith.index_cast %get3A_94 : i32 to index
      %get3A_96 = arith.index_cast %mul3A_93 : i32 to index
      %get3A_97 = tpu.vector_load %arg10[%get3A_95, %get3A_96] {strides = array<i32>} : memref<20x256xi32, #tpu.memory_space<vmem>>, vector<16xi32>,
      %gather3A_98 = tpu.vector_load_idx %arg11[%add3A_59, %get3A_97] : memref<256x128xf32, #tpu.memory_space<vmem>>[vector<16xi32>, vector<16xi32>], vector<16xf32>,
      %add3A_99 = arith.constant 1.000000e+00 : f32
      %add3A_100 = vector.broadcast %add3A_99 : f32 to vector<16xf32>
      %add3A_101 = arith.addf %gather3A_98, %add3A_100 : vector<16xf32>
      tpu.vector_store_idx %arg11[%add3A_59, %get3A_97], %add3A_101 : memref<256x128xf32, #tpu.memory_space<vmem>>[vector<16xi32>, vector<16xi32>], vector<16xf32>,
      %mul3A_102 = arith.constant 16 : i32
      %mul3A_103 = arith.muli %scan3A_55, %mul3A_102 : i32
      %get3A_104 = arith.constant 4 : i32
      %get3A_105 = arith.index_cast %get3A_104 : i32 to index
      %get3A_106 = arith.index_cast %mul3A_103 : i32 to index
      %get3A_107 = tpu.vector_load %arg10[%get3A_105, %get3A_106] {strides = array<i32>} : memref<20x256xi32, #tpu.memory_space<vmem>>, vector<16xi32>,
      %gather3A_108 = tpu.vector_load_idx %arg11[%add3A_59, %get3A_107] : memref<256x128xf32, #tpu.memory_space<vmem>>[vector<16xi32>, vector<16xi32>], vector<16xf32>,
      %add3A_109 = arith.constant 1.000000e+00 : f32
      %add3A_110 = vector.broadcast %add3A_109 : f32 to vector<16xf32>
      %add3A_111 = arith.addf %gather3A_108, %add3A_110 : vector<16xf32>
      tpu.vector_store_idx %arg11[%add3A_59, %get3A_107], %add3A_111 : memref<256x128xf32, #tpu.memory_space<vmem>>[vector<16xi32>, vector<16xi32>], vector<16xf32>,
      %mul3A_112 = arith.constant 16 : i32
      %mul3A_113 = arith.muli %scan3A_55, %mul3A_112 : i32
      %get3A_114 = arith.constant 5 : i32
      %get3A_115 = arith.index_cast %get3A_114 : i32 to index
      %get3A_116 = arith.index_cast %mul3A_113 : i32 to index
      %get3A_117 = tpu.vector_load %arg10[%get3A_115, %get3A_116] {strides = array<i32>} : memref<20x256xi32, #tpu.memory_space<vmem>>, vector<16xi32>,
      %gather3A_118 = tpu.vector_load_idx %arg11[%add3A_59, %get3A_117] : memref<256x128xf32, #tpu.memory_space<vmem>>[vector<16xi32>, vector<16xi32>], vector<16xf32>,
      %add3A_119 = arith.constant 1.000000e+00 : f32
      %add3A_120 = vector.broadcast %add3A_119 : f32 to vector<16xf32>
      %add3A_121 = arith.addf %gather3A_118, %add3A_120 : vector<16xf32>
      tpu.vector_store_idx %arg11[%add3A_59, %get3A_117], %add3A_121 : memref<256x128xf32, #tpu.memory_space<vmem>>[vector<16xi32>, vector<16xi32>], vector<16xf32>,
      %mul3A_122 = arith.constant 16 : i32
      %mul3A_123 = arith.muli %scan3A_55, %mul3A_122 : i32
      %get3A_124 = arith.constant 6 : i32
      %get3A_125 = arith.index_cast %get3A_124 : i32 to index
      %get3A_126 = arith.index_cast %mul3A_123 : i32 to index
      %get3A_127 = tpu.vector_load %arg10[%get3A_125, %get3A_126] {strides = array<i32>} : memref<20x256xi32, #tpu.memory_space<vmem>>, vector<16xi32>,
      %gather3A_128 = tpu.vector_load_idx %arg11[%add3A_59, %get3A_127] : memref<256x128xf32, #tpu.memory_space<vmem>>[vector<16xi32>, vector<16xi32>], vector<16xf32>,
      %add3A_129 = arith.constant 1.000000e+00 : f32
      %add3A_130 = vector.broadcast %add3A_129 : f32 to vector<16xf32>
      %add3A_131 = arith.addf %gather3A_128, %add3A_130 : vector<16xf32>
      tpu.vector_store_idx %arg11[%add3A_59, %get3A_127], %add3A_131 : memref<256x128xf32, #tpu.memory_space<vmem>>[vector<16xi32>, vector<16xi32>], vector<16xf32>,
      %mul3A_132 = arith.constant 16 : i32
      %mul3A_133 = arith.muli %scan3A_55, %mul3A_132 : i32
      %get3A_134 = arith.constant 7 : i32
      %get3A_135 = arith.index_cast %get3A_134 : i32 to index
      %get3A_136 = arith.index_cast %mul3A_133 : i32 to index
      %get3A_137 = tpu.vector_load %arg10[%get3A_135, %get3A_136] {strides = array<i32>} : memref<20x256xi32, #tpu.memory_space<vmem>>, vector<16xi32>,
      %gather3A_138 = tpu.vector_load_idx %arg11[%add3A_59, %get3A_137] : memref<256x128xf32, #tpu.memory_space<vmem>>[vector<16xi32>, vector<16xi32>], vector<16xf32>,
      %add3A_139 = arith.constant 1.000000e+00 : f32
      %add3A_140 = vector.broadcast %add3A_139 : f32 to vector<16xf32>
      %add3A_141 = arith.addf %gather3A_138, %add3A_140 : vector<16xf32>
      tpu.vector_store_idx %arg11[%add3A_59, %get3A_137], %add3A_141 : memref<256x128xf32, #tpu.memory_space<vmem>>[vector<16xi32>, vector<16xi32>], vector<16xf32>,
      %mul3A_142 = arith.constant 16 : i32
      %mul3A_143 = arith.muli %scan3A_55, %mul3A_142 : i32
      %get3A_144 = arith.constant 8 : i32
      %get3A_145 = arith.index_cast %get3A_144 : i32 to index
      %get3A_146 = arith.index_cast %mul3A_143 : i32 to index
      %get3A_147 = tpu.vector_load %arg10[%get3A_145, %get3A_146] {strides = array<i32>} : memref<20x256xi32, #tpu.memory_space<vmem>>, vector<16xi32>,
      %gather3A_148 = tpu.vector_load_idx %arg11[%add3A_59, %get3A_147] : memref<256x128xf32, #tpu.memory_space<vmem>>[vector<16xi32>, vector<16xi32>], vector<16xf32>,
      %add3A_149 = arith.constant 1.000000e+00 : f32
      %add3A_150 = vector.broadcast %add3A_149 : f32 to vector<16xf32>
      %add3A_151 = arith.addf %gather3A_148, %add3A_150 : vector<16xf32>
      tpu.vector_store_idx %arg11[%add3A_59, %get3A_147], %add3A_151 : memref<256x128xf32, #tpu.memory_space<vmem>>[vector<16xi32>, vector<16xi32>], vector<16xf32>,
      %mul3A_152 = arith.constant 16 : i32
      %mul3A_153 = arith.muli %scan3A_55, %mul3A_152 : i32
      %get3A_154 = arith.constant 9 : i32
      %get3A_155 = arith.index_cast %get3A_154 : i32 to index
      %get3A_156 = arith.index_cast %mul3A_153 : i32 to index
      %get3A_157 = tpu.vector_load %arg10[%get3A_155, %get3A_156] {strides = array<i32>} : memref<20x256xi32, #tpu.memory_space<vmem>>, vector<16xi32>,
      %gather3A_158 = tpu.vector_load_idx %arg11[%add3A_59, %get3A_157] : memref<256x128xf32, #tpu.memory_space<vmem>>[vector<16xi32>, vector<16xi32>], vector<16xf32>,
      %add3A_159 = arith.constant 1.000000e+00 : f32
      %add3A_160 = vector.broadcast %add3A_159 : f32 to vector<16xf32>
      %add3A_161 = arith.addf %gather3A_158, %add3A_160 : vector<16xf32>
      tpu.vector_store_idx %arg11[%add3A_59, %get3A_157], %add3A_161 : memref<256x128xf32, #tpu.memory_space<vmem>>[vector<16xi32>, vector<16xi32>], vector<16xf32>,
      %mul3A_162 = arith.constant 16 : i32
      %mul3A_163 = arith.muli %scan3A_55, %mul3A_162 : i32
      %get3A_164 = arith.constant 10 : i32
      %get3A_165 = arith.index_cast %get3A_164 : i32 to index
      %get3A_166 = arith.index_cast %mul3A_163 : i32 to index
      %get3A_167 = tpu.vector_load %arg10[%get3A_165, %get3A_166] {strides = array<i32>} : memref<20x256xi32, #tpu.memory_space<vmem>>, vector<16xi32>,
      %gather3A_168 = tpu.vector_load_idx %arg11[%add3A_59, %get3A_167] : memref<256x128xf32, #tpu.memory_space<vmem>>[vector<16xi32>, vector<16xi32>], vector<16xf32>,
      %add3A_169 = arith.constant 1.000000e+00 : f32
      %add3A_170 = vector.broadcast %add3A_169 : f32 to vector<16xf32>
      %add3A_171 = arith.addf %gather3A_168, %add3A_170 : vector<16xf32>
      tpu.vector_store_idx %arg11[%add3A_59, %get3A_167], %add3A_171 : memref<256x128xf32, #tpu.memory_space<vmem>>[vector<16xi32>, vector<16xi32>], vector<16xf32>,
      %mul3A_172 = arith.constant 16 : i32
      %mul3A_173 = arith.muli %scan3A_55, %mul3A_172 : i32
      %get3A_174 = arith.constant 11 : i32
      %get3A_175 = arith.index_cast %get3A_174 : i32 to index
      %get3A_176 = arith.index_cast %mul3A_173 : i32 to index
      %get3A_177 = tpu.vector_load %arg10[%get3A_175, %get3A_176] {strides = array<i32>} : memref<20x256xi32, #tpu.memory_space<vmem>>, vector<16xi32>,
      %gather3A_178 = tpu.vector_load_idx %arg11[%add3A_59, %get3A_177] : memref<256x128xf32, #tpu.memory_space<vmem>>[vector<16xi32>, vector<16xi32>], vector<16xf32>,
      %add3A_179 = arith.constant 1.000000e+00 : f32
      %add3A_180 = vector.broadcast %add3A_179 : f32 to vector<16xf32>
      %add3A_181 = arith.addf %gather3A_178, %add3A_180 : vector<16xf32>
      tpu.vector_store_idx %arg11[%add3A_59, %get3A_177], %add3A_181 : memref<256x128xf32, #tpu.memory_space<vmem>>[vector<16xi32>, vector<16xi32>], vector<16xf32>,
      %mul3A_182 = arith.constant 16 : i32
      %mul3A_183 = arith.muli %scan3A_55, %mul3A_182 : i32
      %get3A_184 = arith.constant 12 : i32
      %get3A_185 = arith.index_cast %get3A_184 : i32 to index
      %get3A_186 = arith.index_cast %mul3A_183 : i32 to index
      %get3A_187 = tpu.vector_load %arg10[%get3A_185, %get3A_186] {strides = array<i32>} : memref<20x256xi32, #tpu.memory_space<vmem>>, vector<16xi32>,
      %gather3A_188 = tpu.vector_load_idx %arg11[%add3A_59, %get3A_187] : memref<256x128xf32, #tpu.memory_space<vmem>>[vector<16xi32>, vector<16xi32>], vector<16xf32>,
      %add3A_189 = arith.constant 1.000000e+00 : f32
      %add3A_190 = vector.broadcast %add3A_189 : f32 to vector<16xf32>
      %add3A_191 = arith.addf %gather3A_188, %add3A_190 : vector<16xf32>
      tpu.vector_store_idx %arg11[%add3A_59, %get3A_187], %add3A_191 : memref<256x128xf32, #tpu.memory_space<vmem>>[vector<16xi32>, vector<16xi32>], vector<16xf32>,
      %mul3A_192 = arith.constant 16 : i32
      %mul3A_193 = arith.muli %scan3A_55, %mul3A_192 : i32
      %get3A_194 = arith.constant 13 : i32
      %get3A_195 = arith.index_cast %get3A_194 : i32 to index
      %get3A_196 = arith.index_cast %mul3A_193 : i32 to index
      %get3A_197 = tpu.vector_load %arg10[%get3A_195, %get3A_196] {strides = array<i32>} : memref<20x256xi32, #tpu.memory_space<vmem>>, vector<16xi32>,
      %gather3A_198 = tpu.vector_load_idx %arg11[%add3A_59, %get3A_197] : memref<256x128xf32, #tpu.memory_space<vmem>>[vector<16xi32>, vector<16xi32>], vector<16xf32>,
      %add3A_199 = arith.constant 1.000000e+00 : f32
      %add3A_200 = vector.broadcast %add3A_199 : f32 to vector<16xf32>
      %add3A_201 = arith.addf %gather3A_198, %add3A_200 : vector<16xf32>
      tpu.vector_store_idx %arg11[%add3A_59, %get3A_197], %add3A_201 : memref<256x128xf32, #tpu.memory_space<vmem>>[vector<16xi32>, vector<16xi32>], vector<16xf32>,
      %mul3A_202 = arith.constant 16 : i32
      %mul3A_203 = arith.muli %scan3A_55, %mul3A_202 : i32
      %get3A_204 = arith.constant 14 : i32
      %get3A_205 = arith.index_cast %get3A_204 : i32 to index
      %get3A_206 = arith.index_cast %mul3A_203 : i32 to index
      %get3A_207 = tpu.vector_load %arg10[%get3A_205, %get3A_206] {strides = array<i32>} : memref<20x256xi32, #tpu.memory_space<vmem>>, vector<16xi32>,
      %gather3A_208 = tpu.vector_load_idx %arg11[%add3A_59, %get3A_207] : memref<256x128xf32, #tpu.memory_space<vmem>>[vector<16xi32>, vector<16xi32>], vector<16xf32>,
      %add3A_209 = arith.constant 1.000000e+00 : f32
      %add3A_210 = vector.broadcast %add3A_209 : f32 to vector<16xf32>
      %add3A_211 = arith.addf %gather3A_208, %add3A_210 : vector<16xf32>
      tpu.vector_store_idx %arg11[%add3A_59, %get3A_207], %add3A_211 : memref<256x128xf32, #tpu.memory_space<vmem>>[vector<16xi32>, vector<16xi32>], vector<16xf32>,
      %mul3A_212 = arith.constant 16 : i32
      %mul3A_213 = arith.muli %scan3A_55, %mul3A_212 : i32
      %get3A_214 = arith.constant 15 : i32
      %get3A_215 = arith.index_cast %get3A_214 : i32 to index
      %get3A_216 = arith.index_cast %mul3A_213 : i32 to index
      %get3A_217 = tpu.vector_load %arg10[%get3A_215, %get3A_216] {strides = array<i32>} : memref<20x256xi32, #tpu.memory_space<vmem>>, vector<16xi32>,
      %gather3A_218 = tpu.vector_load_idx %arg11[%add3A_59, %get3A_217] : memref<256x128xf32, #tpu.memory_space<vmem>>[vector<16xi32>, vector<16xi32>], vector<16xf32>,
      %add3A_219 = arith.constant 1.000000e+00 : f32
      %add3A_220 = vector.broadcast %add3A_219 : f32 to vector<16xf32>
      %add3A_221 = arith.addf %gather3A_218, %add3A_220 : vector<16xf32>
      tpu.vector_store_idx %arg11[%add3A_59, %get3A_217], %add3A_221 : memref<256x128xf32, #tpu.memory_space<vmem>>[vector<16xi32>, vector<16xi32>], vector<16xf32>,
      %mul3A_222 = arith.constant 16 : i32
      %mul3A_223 = arith.muli %scan3A_55, %mul3A_222 : i32
      %get3A_224 = arith.constant 16 : i32
      %get3A_225 = arith.index_cast %get3A_224 : i32 to index
      %get3A_226 = arith.index_cast %mul3A_223 : i32 to index
      %get3A_227 = tpu.vector_load %arg10[%get3A_225, %get3A_226] {strides = array<i32>} : memref<20x256xi32, #tpu.memory_space<vmem>>, vector<16xi32>,
      %gather3A_228 = tpu.vector_load_idx %arg11[%add3A_59, %get3A_227] : memref<256x128xf32, #tpu.memory_space<vmem>>[vector<16xi32>, vector<16xi32>], vector<16xf32>,
      %add3A_229 = arith.constant 1.000000e+00 : f32
      %add3A_230 = vector.broadcast %add3A_229 : f32 to vector<16xf32>
      %add3A_231 = arith.addf %gather3A_228, %add3A_230 : vector<16xf32>
      tpu.vector_store_idx %arg11[%add3A_59, %get3A_227], %add3A_231 : memref<256x128xf32, #tpu.memory_space<vmem>>[vector<16xi32>, vector<16xi32>], vector<16xf32>,
      %mul3A_232 = arith.constant 16 : i32
      %mul3A_233 = arith.muli %scan3A_55, %mul3A_232 : i32
      %get3A_234 = arith.constant 17 : i32
      %get3A_235 = arith.index_cast %get3A_234 : i32 to index
      %get3A_236 = arith.index_cast %mul3A_233 : i32 to index
      %get3A_237 = tpu.vector_load %arg10[%get3A_235, %get3A_236] {strides = array<i32>} : memref<20x256xi32, #tpu.memory_space<vmem>>, vector<16xi32>,
      %gather3A_238 = tpu.vector_load_idx %arg11[%add3A_59, %get3A_237] : memref<256x128xf32, #tpu.memory_space<vmem>>[vector<16xi32>, vector<16xi32>], vector<16xf32>,
      %add3A_239 = arith.constant 1.000000e+00 : f32
      %add3A_240 = vector.broadcast %add3A_239 : f32 to vector<16xf32>
      %add3A_241 = arith.addf %gather3A_238, %add3A_240 : vector<16xf32>
      tpu.vector_store_idx %arg11[%add3A_59, %get3A_237], %add3A_241 : memref<256x128xf32, #tpu.memory_space<vmem>>[vector<16xi32>, vector<16xi32>], vector<16xf32>,
      %mul3A_242 = arith.constant 16 : i32
      %mul3A_243 = arith.muli %scan3A_55, %mul3A_242 : i32
      %get3A_244 = arith.constant 18 : i32
      %get3A_245 = arith.index_cast %get3A_244 : i32 to index
      %get3A_246 = arith.index_cast %mul3A_243 : i32 to index
      %get3A_247 = tpu.vector_load %arg10[%get3A_245, %get3A_246] {strides = array<i32>} : memref<20x256xi32, #tpu.memory_space<vmem>>, vector<16xi32>,
      %gather3A_248 = tpu.vector_load_idx %arg11[%add3A_59, %get3A_247] : memref<256x128xf32, #tpu.memory_space<vmem>>[vector<16xi32>, vector<16xi32>], vector<16xf32>,
      %add3A_249 = arith.constant 1.000000e+00 : f32
      %add3A_250 = vector.broadcast %add3A_249 : f32 to vector<16xf32>
      %add3A_251 = arith.addf %gather3A_248, %add3A_250 : vector<16xf32>
      tpu.vector_store_idx %arg11[%add3A_59, %get3A_247], %add3A_251 : memref<256x128xf32, #tpu.memory_space<vmem>>[vector<16xi32>, vector<16xi32>], vector<16xf32>,
      %mul3A_252 = arith.constant 16 : i32
      %mul3A_253 = arith.muli %scan3A_55, %mul3A_252 : i32
      %get3A_254 = arith.constant 19 : i32
      %get3A_255 = arith.index_cast %get3A_254 : i32 to index
      %get3A_256 = arith.index_cast %mul3A_253 : i32 to index
      %get3A_257 = tpu.vector_load %arg10[%get3A_255, %get3A_256] {strides = array<i32>} : memref<20x256xi32, #tpu.memory_space<vmem>>, vector<16xi32>,
      %gather3A_258 = tpu.vector_load_idx %arg11[%add3A_59, %get3A_257] : memref<256x128xf32, #tpu.memory_space<vmem>>[vector<16xi32>, vector<16xi32>], vector<16xf32>,
      %add3A_259 = arith.constant 1.000000e+00 : f32
      %add3A_260 = vector.broadcast %add3A_259 : f32 to vector<16xf32>
      %add3A_261 = arith.addf %gather3A_258, %add3A_260 : vector<16xf32>
      tpu.vector_store_idx %arg11[%add3A_59, %get3A_257], %add3A_261 : memref<256x128xf32, #tpu.memory_space<vmem>>[vector<16xi32>, vector<16xi32>], vector<16xf32>,
    }
    %scan3A_35 = arith.constant 16 : i32
    "tpu.region"() ({
      %run_scoped3A = tpu.sem_alloc : memref<!tpu.dma_semaphore, #tpu.memory_space<semaphore_mem>>
      %dma_start3A_55 = arith.constant 0 : i32
      %dma_start3A_56 = arith.constant 0 : i32
      %dma_start3A_57 = tpu.memref_slice %arg7[%add3A, %dma_start3A_55, %dma_start3A_56] : memref<32x256x128xf32, #tpu.memory_space<hbm>> -> memref<1x256x128xf32, #tpu.memory_space<hbm>>
      %dma_start3A_58 = tpu.memref_squeeze %dma_start3A_57 : memref<1x256x128xf32, #tpu.memory_space<hbm>> -> memref<256x128xf32, #tpu.memory_space<hbm>>
      %dma_start3A_59 = arith.constant 0 : i32
      %dma_start3A_60 = arith.constant 0 : i32
      %dma_start3A_61 = tpu.memref_slice %arg7[%add3A, %dma_start3A_59, %dma_start3A_60] : memref<32x256x128xf32, #tpu.memory_space<hbm>> -> memref<1x256x128xf32, #tpu.memory_space<hbm>>
      %dma_start3A_62 = tpu.memref_squeeze %dma_start3A_61 : memref<1x256x128xf32, #tpu.memory_space<hbm>> -> memref<256x128xf32, #tpu.memory_space<hbm>>
      tpu.enqueue_dma source(%arg11 : memref<256x128xf32, #tpu.memory_space<vmem>>) target(%dma_start3A_62 : memref<256x128xf32, #tpu.memory_space<hbm>>) target_semaphore(%run_scoped3A : memref<!tpu.dma_semaphore, #tpu.memory_space<semaphore_mem>>)
      %dma_wait3A_63 = arith.constant 0 : i32
      %dma_wait3A_64 = arith.constant 0 : i32
      %dma_wait3A_65 = tpu.memref_slice %arg7[%add3A, %dma_wait3A_63, %dma_wait3A_64] : memref<32x256x128xf32, #tpu.memory_space<hbm>> -> memref<1x256x128xf32, #tpu.memory_space<hbm>>
      %dma_wait3A_66 = tpu.memref_squeeze %dma_wait3A_65 : memref<1x256x128xf32, #tpu.memory_space<hbm>> -> memref<256x128xf32, #tpu.memory_space<hbm>>
      %dma_wait3A_67 = arith.constant 0 : i32
      %dma_wait3A_68 = arith.constant 0 : i32
      %dma_wait3A_69 = tpu.memref_slice %arg7[%add3A, %dma_wait3A_67, %dma_wait3A_68] : memref<32x256x128xf32, #tpu.memory_space<hbm>> -> memref<1x256x128xf32, #tpu.memory_space<hbm>>
      %dma_wait3A_70 = tpu.memref_squeeze %dma_wait3A_69 : memref<1x256x128xf32, #tpu.memory_space<hbm>> -> memref<256x128xf32, #tpu.memory_space<hbm>>
      tpu.wait_dma2 semaphore(%run_scoped3A : memref<!tpu.dma_semaphore, #tpu.memory_space<semaphore_mem>>) src(%arg11 : memref<256x128xf32, #tpu.memory_space<vmem>>) dst(%dma_wait3A_70 : memref<256x128xf32, #tpu.memory_space<hbm>>)
      tpu.yield
    }) : () -> ()
    %dma_wait3A = arith.constant 0 : i32
    %dma_wait3A_36 = arith.constant 0 : i32
    %dma_wait3A_37 = arith.constant 0 : i32
    %dma_wait3A_38 = tpu.memref_slice %arg9[%dma_wait3A_36, %dma_wait3A_37] : memref<256x128xf32, #tpu.memory_space<vmem>> -> memref<128x128xf32, #tpu.memory_space<vmem>>
    %dma_wait3A_39 = arith.constant 0 : i32
    %dma_wait3A_40 = tpu.memref_slice %arg8[%dma_wait3A, %dma_wait3A_39] : memref<2x128xi32, #tpu.memory_space<vmem>> -> memref<1x128xi32, #tpu.memory_space<vmem>>
    %dma_wait3A_41 = tpu.memref_squeeze %dma_wait3A_40 : memref<1x128xi32, #tpu.memory_space<vmem>> -> memref<128xi32, #tpu.memory_space<vmem>>
    %dma_wait3A_42 = arith.constant 0 : i32
    %dma_wait3A_43 = arith.constant 0 : i32
    %dma_wait3A_44 = tpu.memref_slice %arg2[%dma_wait3A_42, %dma_wait3A_43] : memref<100000x128xf32, #tpu.memory_space<hbm>> -> memref<100000x128xf32, #tpu.memory_space<hbm>>
    tpu.wait_indirect_dma semaphore(%arg13 : memref<!tpu.dma_semaphore, #tpu.memory_space<semaphore_mem>>) src(%dma_wait3A_44 : memref<100000x128xf32, #tpu.memory_space<hbm>>) dst(%dma_wait3A_38 : memref<128x128xf32, #tpu.memory_space<vmem>>)
    %dma_wait3A_45 = arith.constant 1 : i32
    %dma_wait3A_46 = arith.constant 128 : i32
    %dma_wait3A_47 = arith.constant 0 : i32
    %dma_wait3A_48 = tpu.memref_slice %arg9[%dma_wait3A_46, %dma_wait3A_47] : memref<256x128xf32, #tpu.memory_space<vmem>> -> memref<128x128xf32, #tpu.memory_space<vmem>>
    %dma_wait3A_49 = arith.constant 0 : i32
    %dma_wait3A_50 = tpu.memref_slice %arg8[%dma_wait3A_45, %dma_wait3A_49] : memref<2x128xi32, #tpu.memory_space<vmem>> -> memref<1x128xi32, #tpu.memory_space<vmem>>
    %dma_wait3A_51 = tpu.memref_squeeze %dma_wait3A_50 : memref<1x128xi32, #tpu.memory_space<vmem>> -> memref<128xi32, #tpu.memory_space<vmem>>
    %dma_wait3A_52 = arith.constant 0 : i32
    %dma_wait3A_53 = arith.constant 0 : i32
    %dma_wait3A_54 = tpu.memref_slice %arg2[%dma_wait3A_52, %dma_wait3A_53] : memref<100000x128xf32, #tpu.memory_space<hbm>> -> memref<100000x128xf32, #tpu.memory_space<hbm>>
    tpu.wait_indirect_dma semaphore(%arg13 : memref<!tpu.dma_semaphore, #tpu.memory_space<semaphore_mem>>) src(%dma_wait3A_54 : memref<100000x128xf32, #tpu.memory_space<hbm>>) dst(%dma_wait3A_48 : memref<128x128xf32, #tpu.memory_space<vmem>>)
    "tpu.region"() ({
      %run_scoped3A = tpu.sem_alloc : memref<!tpu.dma_semaphore, #tpu.memory_space<semaphore_mem>>
      %dma_start3A_55 = arith.constant 0 : i32
      %dma_start3A_56 = tpu.memref_slice %arg6[%mul3A_2, %dma_start3A_55] : memref<8192x128xf32, #tpu.memory_space<hbm>> -> memref<256x128xf32, #tpu.memory_space<hbm>>
      %dma_start3A_57 = arith.constant 0 : i32
      %dma_start3A_58 = tpu.memref_slice %arg6[%mul3A_2, %dma_start3A_57] : memref<8192x128xf32, #tpu.memory_space<hbm>> -> memref<256x128xf32, #tpu.memory_space<hbm>>
      tpu.enqueue_dma source(%arg9 : memref<256x128xf32, #tpu.memory_space<vmem>>) target(%dma_start3A_58 : memref<256x128xf32, #tpu.memory_space<hbm>>) target_semaphore(%run_scoped3A : memref<!tpu.dma_semaphore, #tpu.memory_space<semaphore_mem>>)
      %dma_wait3A_59 = arith.constant 0 : i32
      %dma_wait3A_60 = tpu.memref_slice %arg6[%mul3A_2, %dma_wait3A_59] : memref<8192x128xf32, #tpu.memory_space<hbm>> -> memref<256x128xf32, #tpu.memory_space<hbm>>
      %dma_wait3A_61 = arith.constant 0 : i32
      %dma_wait3A_62 = tpu.memref_slice %arg6[%mul3A_2, %dma_wait3A_61] : memref<8192x128xf32, #tpu.memory_space<hbm>> -> memref<256x128xf32, #tpu.memory_space<hbm>>
      tpu.wait_dma2 semaphore(%run_scoped3A : memref<!tpu.dma_semaphore, #tpu.memory_space<semaphore_mem>>) src(%arg9 : memref<256x128xf32, #tpu.memory_space<vmem>>) dst(%dma_wait3A_62 : memref<256x128xf32, #tpu.memory_space<hbm>>)
      tpu.yield
    }) : () -> ()
    return
  }
}

module attributes {stable_mosaic.version = 14 : i64} {
  func.func @_mlp_body(%arg0: i32, %arg1: memref<4096x128xf32, #tpu.memory_space<vmem>>, %arg2: memref<4096x128xf32, #tpu.memory_space<vmem>>, %arg3: memref<128x128xbf16, #tpu.memory_space<vmem>>, %arg4: memref<128x128xbf16, #tpu.memory_space<vmem>>, %arg5: memref<257x512xbf16, #tpu.memory_space<vmem>>, %arg6: memref<257x512xbf16, #tpu.memory_space<vmem>>, %arg7: memref<1x512xf32, #tpu.memory_space<vmem>>, %arg8: memref<512x256xbf16, #tpu.memory_space<vmem>>, %arg9: memref<512x256xbf16, #tpu.memory_space<vmem>>, %arg10: memref<1x256xf32, #tpu.memory_space<vmem>>, %arg11: memref<256x1xbf16, #tpu.memory_space<vmem>>, %arg12: memref<256x1xbf16, #tpu.memory_space<vmem>>, %arg13: memref<1x1xf32, #tpu.memory_space<vmem>>, %arg14: memref<4096xf32, #tpu.memory_space<vmem>>) attributes {dimension_semantics = [#tpu.dimension_semantics<arbitrary>], iteration_bounds = array<i64: 2>, scalar_prefetch = 0 : i64, scratch_operands = 0 : i64, tpu.core_type = #tpu.core_type<tc>, window_params = [{transform_indices = @transform_0, window_bounds = array<i64: 4096, 128>}, {transform_indices = @transform_1, window_bounds = array<i64: 4096, 128>}, {pipeline_mode = #tpu.pipeline_mode<synchronous>, transform_indices = @transform_2, window_bounds = array<i64: 128, 128>}, {pipeline_mode = #tpu.pipeline_mode<synchronous>, transform_indices = @transform_3, window_bounds = array<i64: 128, 128>}, {pipeline_mode = #tpu.pipeline_mode<synchronous>, transform_indices = @transform_4, window_bounds = array<i64: 257, 512>}, {pipeline_mode = #tpu.pipeline_mode<synchronous>, transform_indices = @transform_5, window_bounds = array<i64: 257, 512>}, {pipeline_mode = #tpu.pipeline_mode<synchronous>, transform_indices = @transform_6, window_bounds = array<i64: 1, 512>}, {pipeline_mode = #tpu.pipeline_mode<synchronous>, transform_indices = @transform_7, window_bounds = array<i64: 512, 256>}, {pipeline_mode = #tpu.pipeline_mode<synchronous>, transform_indices = @transform_8, window_bounds = array<i64: 512, 256>}, {pipeline_mode = #tpu.pipeline_mode<synchronous>, transform_indices = @transform_9, window_bounds = array<i64: 1, 256>}, {pipeline_mode = #tpu.pipeline_mode<synchronous>, transform_indices = @transform_10, window_bounds = array<i64: 256, 1>}, {pipeline_mode = #tpu.pipeline_mode<synchronous>, transform_indices = @transform_11, window_bounds = array<i64: 256, 1>}, {pipeline_mode = #tpu.pipeline_mode<synchronous>, transform_indices = @transform_12, window_bounds = array<i64: 1, 1>}, {transform_indices = @transform_13, window_bounds = array<i64: 4096>}]} {
    %get3A = arith.constant 0 : index
    %get3A_0 = arith.constant 0 : index
    %get3A_1 = vector.load %arg3[%get3A, %get3A_0] : memref<128x128xbf16, #tpu.memory_space<vmem>>, vector<128x128xbf16>
    %get3A_2 = arith.constant 0 : index
    %get3A_3 = arith.constant 0 : index
    %get3A_4 = vector.load %arg4[%get3A_2, %get3A_3] : memref<128x128xbf16, #tpu.memory_space<vmem>>, vector<128x128xbf16>
    %get3A_5 = arith.constant 128 : index
    %get3A_6 = arith.constant 0 : index
    %get3A_7 = vector.load %arg5[%get3A_5, %get3A_6] : memref<257x512xbf16, #tpu.memory_space<vmem>>, vector<128x512xbf16>
    %get3A_8 = arith.constant 128 : index
    %get3A_9 = arith.constant 0 : index
    %get3A_10 = vector.load %arg6[%get3A_8, %get3A_9] : memref<257x512xbf16, #tpu.memory_space<vmem>>, vector<128x512xbf16>
    %dot_general3A = arith.constant dense<0.000000e+00> : vector<128x512xf32>
    %dot_general3A_11 = tpu.matmul %get3A_1, %get3A_7, %dot_general3A {dimension_numbers = #tpu.dot_dimension_numbers<[1], [0], [0], [1], [0, 0, 1, 1], [], []>, transpose_lhs_hint = false} : vector<128x128xbf16>, vector<128x512xbf16>, vector<128x512xf32> -> vector<128x512xf32>
    %dot_general3A_12 = arith.constant dense<0.000000e+00> : vector<128x512xf32>
    %dot_general3A_13 = tpu.matmul %get3A_1, %get3A_10, %dot_general3A_12 {dimension_numbers = #tpu.dot_dimension_numbers<[1], [0], [0], [1], [0, 0, 1, 1], [], []>, transpose_lhs_hint = false} : vector<128x128xbf16>, vector<128x512xbf16>, vector<128x512xf32> -> vector<128x512xf32>
    %dot_general3A_14 = arith.constant dense<0.000000e+00> : vector<128x512xf32>
    %dot_general3A_15 = tpu.matmul %get3A_4, %get3A_7, %dot_general3A_14 {dimension_numbers = #tpu.dot_dimension_numbers<[1], [0], [0], [1], [0, 0, 1, 1], [], []>, transpose_lhs_hint = false} : vector<128x128xbf16>, vector<128x512xbf16>, vector<128x512xf32> -> vector<128x512xf32>
    %add3A = arith.addf %dot_general3A_13, %dot_general3A_15 : vector<128x512xf32>
    %add3A_16 = arith.addf %dot_general3A_11, %add3A : vector<128x512xf32>
    %get3A_17 = arith.constant 256 : index
    %get3A_18 = arith.constant 0 : index
    %get3A_19 = vector.load %arg5[%get3A_17, %get3A_18] : memref<257x512xbf16, #tpu.memory_space<vmem>>, vector<1x512xbf16>
    %convert_element_type3A = arith.extf %get3A_19 : vector<1x512xbf16> to vector<1x512xf32>
    %get3A_20 = arith.constant 256 : index
    %get3A_21 = arith.constant 0 : index
    %get3A_22 = vector.load %arg6[%get3A_20, %get3A_21] : memref<257x512xbf16, #tpu.memory_space<vmem>>, vector<1x512xbf16>
    %convert_element_type3A_23 = arith.extf %get3A_22 : vector<1x512xbf16> to vector<1x512xf32>
    %add3A_24 = arith.addf %convert_element_type3A, %convert_element_type3A_23 : vector<1x512xf32>
    %iota3A = tpu.iota {dimensions = array<i32: 0>} : vector<128x1xi32>
    %eq3A = arith.constant 127 : i32
    %eq3A_25 = vector.broadcast %eq3A : i32 to vector<128x1xi32>
    %eq3A_26 = arith.cmpi eq, %iota3A, %eq3A_25 : vector<128x1xi32>
    %broadcast_in_dim3A = vector.shape_cast %eq3A_26 : vector<128x1xi1> to vector<128x1xi1>
    %broadcast_in_dim3A_27 = vector.broadcast %broadcast_in_dim3A : vector<128x1xi1> to vector<128x512xi1>
    %broadcast_in_dim3A_28 = vector.shape_cast %add3A_24 : vector<1x512xf32> to vector<1x512xf32>
    %broadcast_in_dim3A_29 = vector.broadcast %broadcast_in_dim3A_28 : vector<1x512xf32> to vector<128x512xf32>
    %select_n3A = arith.select %broadcast_in_dim3A_27, %broadcast_in_dim3A_29, %add3A_16 : vector<128x512xi1>, vector<128x512xf32>
    %convert_element_type3A_30 = arith.truncf %select_n3A : vector<128x512xf32> to vector<128x512xbf16>
    %convert_element_type3A_31 = arith.extf %convert_element_type3A_30 : vector<128x512xbf16> to vector<128x512xf32>
    %sub3A = arith.subf %select_n3A, %convert_element_type3A_31 : vector<128x512xf32>
    %convert_element_type3A_32 = arith.truncf %sub3A : vector<128x512xf32> to vector<128x512xbf16>
    %get3A_33 = arith.constant 0 : index
    %get3A_34 = arith.constant 0 : index
    %get3A_35 = vector.load %arg2[%get3A_33, %get3A_34] : memref<4096x128xf32, #tpu.memory_space<vmem>>, vector<4096x128xf32>
    %convert_element_type3A_36 = arith.truncf %get3A_35 : vector<4096x128xf32> to vector<4096x128xbf16>
    %convert_element_type3A_37 = arith.extf %convert_element_type3A_36 : vector<4096x128xbf16> to vector<4096x128xf32>
    %sub3A_38 = arith.subf %get3A_35, %convert_element_type3A_37 : vector<4096x128xf32>
    %convert_element_type3A_39 = arith.truncf %sub3A_38 : vector<4096x128xf32> to vector<4096x128xbf16>
    %get3A_40 = arith.constant 0 : index
    %get3A_41 = arith.constant 0 : index
    %get3A_42 = vector.load %arg1[%get3A_40, %get3A_41] : memref<4096x128xf32, #tpu.memory_space<vmem>>, vector<4096x128xf32>
    %convert_element_type3A_43 = arith.truncf %get3A_42 : vector<4096x128xf32> to vector<4096x128xbf16>
    %convert_element_type3A_44 = arith.extf %convert_element_type3A_43 : vector<4096x128xbf16> to vector<4096x128xf32>
    %sub3A_45 = arith.subf %get3A_42, %convert_element_type3A_44 : vector<4096x128xf32>
    %convert_element_type3A_46 = arith.truncf %sub3A_45 : vector<4096x128xf32> to vector<4096x128xbf16>
    %get3A_47 = arith.constant 0 : index
    %get3A_48 = arith.constant 0 : index
    %get3A_49 = vector.load %arg5[%get3A_47, %get3A_48] : memref<257x512xbf16, #tpu.memory_space<vmem>>, vector<128x512xbf16>
    %get3A_50 = arith.constant 0 : index
    %get3A_51 = arith.constant 0 : index
    %get3A_52 = vector.load %arg6[%get3A_50, %get3A_51] : memref<257x512xbf16, #tpu.memory_space<vmem>>, vector<128x512xbf16>
    %dot_general3A_53 = arith.constant dense<0.000000e+00> : vector<4096x512xf32>
    %dot_general3A_54 = tpu.matmul %convert_element_type3A_43, %get3A_49, %dot_general3A_53 {dimension_numbers = #tpu.dot_dimension_numbers<[1], [0], [0], [1], [0, 0, 1, 1], [], []>, transpose_lhs_hint = false} : vector<4096x128xbf16>, vector<128x512xbf16>, vector<4096x512xf32> -> vector<4096x512xf32>
    %dot_general3A_55 = arith.constant dense<0.000000e+00> : vector<4096x512xf32>
    %dot_general3A_56 = tpu.matmul %convert_element_type3A_43, %get3A_52, %dot_general3A_55 {dimension_numbers = #tpu.dot_dimension_numbers<[1], [0], [0], [1], [0, 0, 1, 1], [], []>, transpose_lhs_hint = false} : vector<4096x128xbf16>, vector<128x512xbf16>, vector<4096x512xf32> -> vector<4096x512xf32>
    %dot_general3A_57 = arith.constant dense<0.000000e+00> : vector<4096x512xf32>
    %dot_general3A_58 = tpu.matmul %convert_element_type3A_46, %get3A_49, %dot_general3A_57 {dimension_numbers = #tpu.dot_dimension_numbers<[1], [0], [0], [1], [0, 0, 1, 1], [], []>, transpose_lhs_hint = false} : vector<4096x128xbf16>, vector<128x512xbf16>, vector<4096x512xf32> -> vector<4096x512xf32>
    %add3A_59 = arith.addf %dot_general3A_56, %dot_general3A_58 : vector<4096x512xf32>
    %add3A_60 = arith.addf %dot_general3A_54, %add3A_59 : vector<4096x512xf32>
    %dot_general3A_61 = arith.constant dense<0.000000e+00> : vector<4096x512xf32>
    %dot_general3A_62 = tpu.matmul %convert_element_type3A_36, %convert_element_type3A_30, %dot_general3A_61 {dimension_numbers = #tpu.dot_dimension_numbers<[1], [0], [0], [1], [0, 0, 1, 1], [], []>, transpose_lhs_hint = false} : vector<4096x128xbf16>, vector<128x512xbf16>, vector<4096x512xf32> -> vector<4096x512xf32>
    %dot_general3A_63 = arith.constant dense<0.000000e+00> : vector<4096x512xf32>
    %dot_general3A_64 = tpu.matmul %convert_element_type3A_36, %convert_element_type3A_32, %dot_general3A_63 {dimension_numbers = #tpu.dot_dimension_numbers<[1], [0], [0], [1], [0, 0, 1, 1], [], []>, transpose_lhs_hint = false} : vector<4096x128xbf16>, vector<128x512xbf16>, vector<4096x512xf32> -> vector<4096x512xf32>
    %dot_general3A_65 = arith.constant dense<0.000000e+00> : vector<4096x512xf32>
    %dot_general3A_66 = tpu.matmul %convert_element_type3A_39, %convert_element_type3A_30, %dot_general3A_65 {dimension_numbers = #tpu.dot_dimension_numbers<[1], [0], [0], [1], [0, 0, 1, 1], [], []>, transpose_lhs_hint = false} : vector<4096x128xbf16>, vector<128x512xbf16>, vector<4096x512xf32> -> vector<4096x512xf32>
    %add3A_67 = arith.addf %dot_general3A_64, %dot_general3A_66 : vector<4096x512xf32>
    %add3A_68 = arith.addf %dot_general3A_62, %add3A_67 : vector<4096x512xf32>
    %add3A_69 = arith.addf %add3A_60, %add3A_68 : vector<4096x512xf32>
    %get3A_70 = arith.constant 0 : index
    %get3A_71 = arith.constant 0 : index
    %get3A_72 = vector.load %arg7[%get3A_70, %get3A_71] : memref<1x512xf32, #tpu.memory_space<vmem>>, vector<1x512xf32>
    %add3A_73 = vector.broadcast %get3A_72 : vector<1x512xf32> to vector<4096x512xf32>
    %add3A_74 = arith.addf %add3A_69, %add3A_73 : vector<4096x512xf32>
    %max3A = arith.constant 0.000000e+00 : f32
    %max3A_75 = vector.broadcast %max3A : f32 to vector<4096x512xf32>
    %max3A_76 = arith.maximumf %add3A_74, %max3A_75 : vector<4096x512xf32>
    %convert_element_type3A_77 = arith.truncf %max3A_76 : vector<4096x512xf32> to vector<4096x512xbf16>
    %convert_element_type3A_78 = arith.extf %convert_element_type3A_77 : vector<4096x512xbf16> to vector<4096x512xf32>
    %sub3A_79 = arith.subf %max3A_76, %convert_element_type3A_78 : vector<4096x512xf32>
    %convert_element_type3A_80 = arith.truncf %sub3A_79 : vector<4096x512xf32> to vector<4096x512xbf16>
    %get3A_81 = arith.constant 0 : index
    %get3A_82 = arith.constant 0 : index
    %get3A_83 = vector.load %arg8[%get3A_81, %get3A_82] : memref<512x256xbf16, #tpu.memory_space<vmem>>, vector<512x256xbf16>
    %get3A_84 = arith.constant 0 : index
    %get3A_85 = arith.constant 0 : index
    %get3A_86 = vector.load %arg9[%get3A_84, %get3A_85] : memref<512x256xbf16, #tpu.memory_space<vmem>>, vector<512x256xbf16>
    %dot_general3A_87 = arith.constant dense<0.000000e+00> : vector<4096x256xf32>
    %dot_general3A_88 = tpu.matmul %convert_element_type3A_77, %get3A_83, %dot_general3A_87 {dimension_numbers = #tpu.dot_dimension_numbers<[1], [0], [0], [1], [0, 0, 1, 1], [], []>, transpose_lhs_hint = false} : vector<4096x512xbf16>, vector<512x256xbf16>, vector<4096x256xf32> -> vector<4096x256xf32>
    %dot_general3A_89 = arith.constant dense<0.000000e+00> : vector<4096x256xf32>
    %dot_general3A_90 = tpu.matmul %convert_element_type3A_77, %get3A_86, %dot_general3A_89 {dimension_numbers = #tpu.dot_dimension_numbers<[1], [0], [0], [1], [0, 0, 1, 1], [], []>, transpose_lhs_hint = false} : vector<4096x512xbf16>, vector<512x256xbf16>, vector<4096x256xf32> -> vector<4096x256xf32>
    %dot_general3A_91 = arith.constant dense<0.000000e+00> : vector<4096x256xf32>
    %dot_general3A_92 = tpu.matmul %convert_element_type3A_80, %get3A_83, %dot_general3A_91 {dimension_numbers = #tpu.dot_dimension_numbers<[1], [0], [0], [1], [0, 0, 1, 1], [], []>, transpose_lhs_hint = false} : vector<4096x512xbf16>, vector<512x256xbf16>, vector<4096x256xf32> -> vector<4096x256xf32>
    %add3A_93 = arith.addf %dot_general3A_90, %dot_general3A_92 : vector<4096x256xf32>
    %add3A_94 = arith.addf %dot_general3A_88, %add3A_93 : vector<4096x256xf32>
    %get3A_95 = arith.constant 0 : index
    %get3A_96 = arith.constant 0 : index
    %get3A_97 = vector.load %arg10[%get3A_95, %get3A_96] : memref<1x256xf32, #tpu.memory_space<vmem>>, vector<1x256xf32>
    %add3A_98 = vector.broadcast %get3A_97 : vector<1x256xf32> to vector<4096x256xf32>
    %add3A_99 = arith.addf %add3A_94, %add3A_98 : vector<4096x256xf32>
    %max3A_100 = arith.constant 0.000000e+00 : f32
    %max3A_101 = vector.broadcast %max3A_100 : f32 to vector<4096x256xf32>
    %max3A_102 = arith.maximumf %add3A_99, %max3A_101 : vector<4096x256xf32>
    %convert_element_type3A_103 = arith.truncf %max3A_102 : vector<4096x256xf32> to vector<4096x256xbf16>
    %convert_element_type3A_104 = arith.extf %convert_element_type3A_103 : vector<4096x256xbf16> to vector<4096x256xf32>
    %sub3A_105 = arith.subf %max3A_102, %convert_element_type3A_104 : vector<4096x256xf32>
    %convert_element_type3A_106 = arith.truncf %sub3A_105 : vector<4096x256xf32> to vector<4096x256xbf16>
    %get3A_107 = arith.constant 0 : index
    %get3A_108 = arith.constant 0 : index
    %get3A_109 = vector.load %arg11[%get3A_107, %get3A_108] : memref<256x1xbf16, #tpu.memory_space<vmem>>, vector<256x1xbf16>
    %get3A_110 = arith.constant 0 : index
    %get3A_111 = arith.constant 0 : index
    %get3A_112 = vector.load %arg12[%get3A_110, %get3A_111] : memref<256x1xbf16, #tpu.memory_space<vmem>>, vector<256x1xbf16>
    %dot_general3A_113 = arith.constant dense<0.000000e+00> : vector<4096x1xf32>
    %dot_general3A_114 = tpu.matmul %convert_element_type3A_103, %get3A_109, %dot_general3A_113 {dimension_numbers = #tpu.dot_dimension_numbers<[1], [0], [0], [1], [0, 0, 1, 1], [], []>, transpose_lhs_hint = false} : vector<4096x256xbf16>, vector<256x1xbf16>, vector<4096x1xf32> -> vector<4096x1xf32>
    %dot_general3A_115 = arith.constant dense<0.000000e+00> : vector<4096x1xf32>
    %dot_general3A_116 = tpu.matmul %convert_element_type3A_103, %get3A_112, %dot_general3A_115 {dimension_numbers = #tpu.dot_dimension_numbers<[1], [0], [0], [1], [0, 0, 1, 1], [], []>, transpose_lhs_hint = false} : vector<4096x256xbf16>, vector<256x1xbf16>, vector<4096x1xf32> -> vector<4096x1xf32>
    %dot_general3A_117 = arith.constant dense<0.000000e+00> : vector<4096x1xf32>
    %dot_general3A_118 = tpu.matmul %convert_element_type3A_106, %get3A_109, %dot_general3A_117 {dimension_numbers = #tpu.dot_dimension_numbers<[1], [0], [0], [1], [0, 0, 1, 1], [], []>, transpose_lhs_hint = false} : vector<4096x256xbf16>, vector<256x1xbf16>, vector<4096x1xf32> -> vector<4096x1xf32>
    %add3A_119 = arith.addf %dot_general3A_116, %dot_general3A_118 : vector<4096x1xf32>
    %add3A_120 = arith.addf %dot_general3A_114, %add3A_119 : vector<4096x1xf32>
    %get3A_121 = arith.constant 0 : index
    %get3A_122 = arith.constant 0 : index
    %get3A_123 = vector.load %arg13[%get3A_121, %get3A_122] : memref<1x1xf32, #tpu.memory_space<vmem>>, vector<1x1xf32>
    %add3A_124 = vector.broadcast %get3A_123 : vector<1x1xf32> to vector<4096x1xf32>
    %add3A_125 = arith.addf %add3A_120, %add3A_124 : vector<4096x1xf32>
    %squeeze3A = vector.shape_cast %add3A_125 : vector<4096x1xf32> to vector<4096xf32>
    %swap3A = arith.constant 0 : index
    %swap3A_126 = vector.load %arg14[%swap3A] : memref<4096xf32, #tpu.memory_space<vmem>>, vector<4096xf32>
    tpu.vector_store %arg14[%swap3A], %squeeze3A {strides = array<i32>} : memref<4096xf32, #tpu.memory_space<vmem>>, vector<4096xf32>,
    return
  }
  func.func @transform_0(%arg0: i32) -> (i32, i32) {
    %c0_i32 = arith.constant 0 : i32
    %c0_i32_0 = arith.constant 0 : i32
    return %arg0, %c0_i32 : i32, i32
  }
  func.func @transform_1(%arg0: i32) -> (i32, i32) {
    %c0_i32 = arith.constant 0 : i32
    %c0_i32_0 = arith.constant 0 : i32
    return %arg0, %c0_i32 : i32, i32
  }
  func.func @transform_2(%arg0: i32) -> (i32, i32) {
    %c0_i32 = arith.constant 0 : i32
    %c0_i32_0 = arith.constant 0 : i32
    %c0_i32_1 = arith.constant 0 : i32
    return %c0_i32, %c0_i32_0 : i32, i32
  }
  func.func @transform_3(%arg0: i32) -> (i32, i32) {
    %c0_i32 = arith.constant 0 : i32
    %c0_i32_0 = arith.constant 0 : i32
    %c0_i32_1 = arith.constant 0 : i32
    return %c0_i32, %c0_i32_0 : i32, i32
  }
  func.func @transform_4(%arg0: i32) -> (i32, i32) {
    %c0_i32 = arith.constant 0 : i32
    %c0_i32_0 = arith.constant 0 : i32
    %c0_i32_1 = arith.constant 0 : i32
    return %c0_i32, %c0_i32_0 : i32, i32
  }
  func.func @transform_5(%arg0: i32) -> (i32, i32) {
    %c0_i32 = arith.constant 0 : i32
    %c0_i32_0 = arith.constant 0 : i32
    %c0_i32_1 = arith.constant 0 : i32
    return %c0_i32, %c0_i32_0 : i32, i32
  }
  func.func @transform_6(%arg0: i32) -> (i32, i32) {
    %c0_i32 = arith.constant 0 : i32
    %c0_i32_0 = arith.constant 0 : i32
    %c0_i32_1 = arith.constant 0 : i32
    return %c0_i32, %c0_i32_0 : i32, i32
  }
  func.func @transform_7(%arg0: i32) -> (i32, i32) {
    %c0_i32 = arith.constant 0 : i32
    %c0_i32_0 = arith.constant 0 : i32
    %c0_i32_1 = arith.constant 0 : i32
    return %c0_i32, %c0_i32_0 : i32, i32
  }
  func.func @transform_8(%arg0: i32) -> (i32, i32) {
    %c0_i32 = arith.constant 0 : i32
    %c0_i32_0 = arith.constant 0 : i32
    %c0_i32_1 = arith.constant 0 : i32
    return %c0_i32, %c0_i32_0 : i32, i32
  }
  func.func @transform_9(%arg0: i32) -> (i32, i32) {
    %c0_i32 = arith.constant 0 : i32
    %c0_i32_0 = arith.constant 0 : i32
    %c0_i32_1 = arith.constant 0 : i32
    return %c0_i32, %c0_i32_0 : i32, i32
  }
  func.func @transform_10(%arg0: i32) -> (i32, i32) {
    %c0_i32 = arith.constant 0 : i32
    %c0_i32_0 = arith.constant 0 : i32
    %c0_i32_1 = arith.constant 0 : i32
    return %c0_i32, %c0_i32_0 : i32, i32
  }
  func.func @transform_11(%arg0: i32) -> (i32, i32) {
    %c0_i32 = arith.constant 0 : i32
    %c0_i32_0 = arith.constant 0 : i32
    %c0_i32_1 = arith.constant 0 : i32
    return %c0_i32, %c0_i32_0 : i32, i32
  }
  func.func @transform_12(%arg0: i32) -> (i32, i32) {
    %c0_i32 = arith.constant 0 : i32
    %c0_i32_0 = arith.constant 0 : i32
    %c0_i32_1 = arith.constant 0 : i32
    return %c0_i32, %c0_i32_0 : i32, i32
  }
  func.func @transform_13(%arg0: i32) -> i32 {
    %c0_i32 = arith.constant 0 : i32
    return %arg0 : i32
  }
}

</mosaic_0001>

<sc_bundles>
// kernel: kernel.6.cloned.1.call-start
scs
__scs_entry_jumppad:
0x0: {  	(pc) =	sbr.rel $0x88, $3  }
0x1: {  	(tag) =	ssettag $0x0;
	lr =	simm.s32 $0x1  }
0x2: {  	[smem:$0x3F96] =	sst lr;
	_ =	strace $0xD0000000  }
0x3: {  	_ = 	snop  }
0x4: {  	_ = 	snop  }
0x5: {  	_ = 	snop  }
0x6: {  	_ = 	snop  }
0x7: {  	_ = 	snop  }
__scs_overlays_trampoline_lowered:
0x8: {  	[smem:$0x3FA5] =	sst s0  }
0x9: {  	[smem:$0x3FA6] =	sst s1  }
0xa: {  	[smem:$0x3FA7] =	sst s2  }
0xb: {  	[smem:$0x3FA8] =	sst s3  }
0xc: {  	[smem:$0x3FA9] =	sst s4  }
0xd: {  	[smem:$0x3FAA] =	sst s5  }
0xe: {  	[smem:$0x3FAB] =	sst s6  }
0xf: {  	[smem:$0x3FAC] =	sst s7  }
0x10: {  	[smem:$0x3FAD] =	sst s8  }
0x11: {  	[smem:$0x3FAE] =	sst s9;
	s0 =	simm.s32 @!p0 $0x0  }
0x12: {  	s1 =	sld [smem:$0x3F94];
	s0 =	simm.s32 @p0 $0x1  }
0x13: {  	[smem:$0x3FAF] =	sst s0;
	s0 =	simm.s32 @!p1 $0x0  }
0x14: {  	s2 =	sld [smem:$0x3F93];
	s0 =	simm.s32 @p1 $0x1  }
0x15: {  	[smem:$0x3FB0] =	sst s0;
	s0 =	simm.s32 @!p2 $0x0  }
0x16: {  	s3 =	sld [smem:$0x3FDB];
	s0 =	simm.s32 @p2 $0x1  }
0x17: {  	s4 =	simm.s32 $0x1BF5;
	[smem:$0x3FB2] =	sst s0  }
0x18: {  	s0 =	sld [smem:$0x3F95];
	_ =	swait.ge [sflag:s4], $0x0  }
0x19: {  	s7 =	sld [smem:$0x3F96]  }
0x1a: {  	s8 =	sadd.s32 $0xFFFFE003, lr  }
0x1b: {  	s9 =	sadd.s32 $0xFFFFFEF7, lr;
	s5 =	simm.s32 $0xFFFFFFFF;
	p2 =	slt.u32 s8, $0xFFFFF086  }
0x1c: {  	p1 =	slt.u32 s9, $0xF7A;
	s5 =	simm.s32 @!p2 $0x0  }
0x1d: {  	s5 =	simm.s32 @p1 $0x1;
	p0 =	seq.s32 s7, s2  }
0x1e: {  	s7 =	smul.u32 @!p0 $0xF7A, s2;
	p2 =	seq.s32 @!p0 s5, $0x0  }
0x1f: {  	s9 =	smul.u32 $0xF7A, s1;
	s8 =	simm.s32 @!p0 $0x1BF5;
	p2 =	por !p2, p0  }
0x20: {  	[sflag:s8] =	ssyncset.s32 @!p0 $0xFFFFF086;
	s6 =	sadd.s32 @!p0 s3, s7;
	s7 =	simm.s32 @!p0 $0x108  }
0x21: {  	s3 =	sadd.s32 s3, s9;
	s6 =	sadd.s32 @!p0 $0x88, s6;
	s7 =	simm.s32 @p2 $0x1082  }
0x22: {  	[simem:s7], [sflag:s8] =	dma.local @!p0 [hbm:s6], $0xF7A  }
0x23: {  	s9 =	sor.u32 $0xD0000000, s2;
	s6 =	simm.s32 $0x108;
	_ =	swait.ge @!p0 [sflag:s8], $0x0  }
0x24: {  	s3 =	sadd.s32 $0x88, s3;
	s6 =	simm.s32 @!p1 $0x1082;
	[sflag:s4] =	ssyncset.s32 $0xFFFFF086  }
0x25: {  	[simem:s6], [sflag:s4] =	dma.local [hbm:s3], $0xF7A  }
0x26: {  	[smem:$0x3F96] =	sst s1;
	(tag) =	ssettag s2;
	_ =	strace s9  }
0x27: {  	s1 =	sld [smem:$0x3FA6]  }
0x28: {  	s2 =	sld [smem:$0x3FA7]  }
0x29: {  	s4 =	sld [smem:$0x3FA9]  }
0x2a: {  	p0 =	seq.s32 s5, $0x0;
	s5 =	sld [smem:$0x3FAA]  }
0x2b: {  	s6 =	sld [smem:$0x3FAB]  }
0x2c: {  	s7 =	sld [smem:$0x3FAC]  }
0x2d: {  	s3 =	simm.s32 $0x108;
	s8 =	sld [smem:$0x3FAD]  }
0x2e: {  	s3 =	simm.s32 @!p0 $0x1082;
	s9 =	sld [smem:$0x3FAE]  }
0x2f: {  	lr =	sadd.s32 s0, s3;
	s0 =	sld [smem:$0x3FA5]  }
0x30: {  	s3 =	sld [smem:$0x3FA8]  }
0x31: {  	[smem:$0x3FB1] =	sst s10  }
0x32: {  	s10 =	sld [smem:$0x3FAF];
	_ =	sdelay $0x3  }
0x33: {  	p0 =	seq.s32 s10, $0x1;
	s10 =	sld [smem:$0x3FB1];
	_ =	sdelay $0x3  }
0x34: {  	[smem:$0x3FB1] =	sst s10  }
0x35: {  	s10 =	sld [smem:$0x3FB0];
	_ =	sdelay $0x3  }
0x36: {  	p1 =	seq.s32 s10, $0x1;
	s10 =	sld [smem:$0x3FB1];
	_ =	sdelay $0x3  }
0x37: {  	[smem:$0x3FB1] =	sst s10  }
0x38: {  	s10 =	sld [smem:$0x3FB2]  }
0x39: {  	_ = 	snop;
	(pc) =	sbr.ind lr, $3  }
0x3a: {  	_ = 	snop  }
0x3b: {  	_ = 	snop  }
0x3c: {  	p2 =	seq.s32 s10, $0x1;
	s10 =	sld [smem:$0x3FB1]  }
0x3d: {  	_ =	shalt  }
0x3e: {  	_ =	shalt  }
0x3f: {  	_ =	shalt  }
0x40: {  	_ =	shalt  }
0x41: {  	_ =	shalt  }
0x42: {  	_ =	shalt  }
0x43: {  	_ =	shalt  }
0x44: {  	_ =	shalt  }
0x45: {  	_ =	shalt  }
0x46: {  	_ =	shalt  }
0x47: {  	_ =	shalt  }
0x48: {  	_ =	shalt  }
0x49: {  	_ =	shalt  }
0x4a: {  	_ =	shalt  }
0x4b: {  	_ =	shalt  }
0x4c: {  	_ =	shalt  }
0x4d: {  	_ =	shalt  }
0x4e: {  	_ =	shalt  }
0x4f: {  	_ =	shalt  }
0x50: {  	_ =	shalt  }
0x51: {  	_ =	shalt  }
0x52: {  	_ =	shalt  }
0x53: {  	_ =	shalt  }
0x54: {  	_ =	shalt  }
0x55: {  	_ =	shalt  }
0x56: {  	_ =	shalt  }
0x57: {  	_ =	shalt  }
0x58: {  	_ =	shalt  }
0x59: {  	_ =	shalt  }
0x5a: {  	_ =	shalt  }
0x5b: {  	_ =	shalt  }
0x5c: {  	_ =	shalt  }
0x5d: {  	_ =	shalt  }
0x5e: {  	_ =	shalt  }
0x5f: {  	_ =	shalt  }
0x60: {  	_ =	shalt  }
0x61: {  	_ =	shalt  }
0x62: {  	_ =	shalt  }
0x63: {  	_ =	shalt  }
0x64: {  	_ =	shalt  }
0x65: {  	_ =	shalt  }
0x66: {  	_ =	shalt  }
0x67: {  	_ =	shalt  }
0x68: {  	_ =	shalt  }
0x69: {  	_ =	shalt  }
0x6a: {  	_ =	shalt  }
0x6b: {  	_ =	shalt  }
0x6c: {  	_ =	shalt  }
0x6d: {  	_ =	shalt  }
0x6e: {  	_ =	shalt  }
0x6f: {  	_ =	shalt  }
0x70: {  	_ =	shalt  }
0x71: {  	_ =	shalt  }
0x72: {  	_ =	shalt  }
0x73: {  	_ =	shalt  }
0x74: {  	_ =	shalt  }
0x75: {  	_ =	shalt  }
0x76: {  	_ =	shalt  }
0x77: {  	_ =	shalt  }
0x78: {  	_ =	shalt  }
0x79: {  	_ =	shalt  }
0x7a: {  	_ =	shalt  }
0x7b: {  	_ =	shalt  }
0x7c: {  	_ =	shalt  }
0x7d: {  	_ =	shalt  }
0x7e: {  	_ =	shalt  }
0x7f: {  	_ =	shalt  }
0x80: {  	_ =	shalt  }
0x81: {  	_ =	shalt  }
0x82: {  	_ =	shalt  }
0x83: {  	_ =	shalt  }
0x84: {  	_ =	shalt  }
0x85: {  	_ =	shalt  }
0x86: {  	_ =	shalt  }
0x87: {  	_ =	shalt  }
.Lfunc_end0:
.L_simem_size_0:
called_computation_lowered:
.L_overlay_start_0:
0x88: {  	s2 =	sld [smem:$0x3FD9]  }
0x89: {  	s3 =	sld [smem:$0x3FFE];
	_ =	sdelay $0x1  }
0x8a: {  	s1 =	srdreg.scid  }
0x8b: {  	s0 =	sand.u32 $0x1, s1  }
0x8c: {  	s17 =	sshll.u32 s0, $0xA;
	s2 =	sadd.s32 s3, s2  }
0x8d: {  	s2 =	sadd.s32 s2, s17  }
0x8e: {  	[smem:$0x3FBD] =	sst s2  }
0x8f: {  	_ = 	snop  }
0x90: {  	s2 =	sld [smem:$0x3FC6];
	(tm) =	ssettm $0x1  }
0x91: {  	s18 =	sld [smem:$0x3FFB];
	_ =	sdelay $0x3  }
0x92: {  	_ =	strace s18  }
0x93: {  	s3 =	sld [smem:$0x3FFC];
	_ =	sdelay $0x3  }
0x94: {  	_ =	strace s3  }
0x95: {  	s3 =	sld [smem:$0x3FFD];
	_ =	sdelay $0x3  }
0x96: {  	_ =	strace s3  }
0x97: {  	_ =	strace $0x8FFFFFFF  }
0x98: {  	s19 =	sld [smem:$0x3FDB];
	_ =	sdelay $0x1  }
0x99: {  	s4 =	simm.s32 $_scs_section_size  }
0x9a: {  	s5 =	simm.s32 $_size__tile_overlayer_lowered;
	s6 =	simm.s32 $_tile_overlayer_lowered  }
0x9b: {  	s22 =	simm.s32 $0x1BFF;
	s21 =	sshll.u32 s6, $0x1;
	s3 =	sadd.s32 s4, s19  }
0x9c: {  	s7 =	simm.s32 $0x0;
	s20 =	sshll.u32 s5, $0x1;
	s5 =	sadd.s32 s21, s3  }
0x9d: {  	[timem:s7], [sflag:s22] =	dma.local [hbm:s5], s20  }
0x9e: {  	_ =	swait.ge [sflag:s22], s20  }
0x9f: {  	s4 =	ssub.s32 $0x0, s20;
	[sflag:s22] =	ssyncset.done $0x0  }
0xa0: {  	[sflag:s22] =	ssyncadd.s32 s4;
	_ =	sdelay $0x1  }
0xa1: {  	s23 =	simm.s32 $0x1B8B  }
0xa2: {  	_ =	swait.ge [sflag:s23], $0x1  }
0xa3: {  	[sflag:s23] =	ssyncset.done $0x0  }
0xa4: {  	s25 =	simm.s32 $0x1B8E;
	s24 =	sld [smem:$0x3FFE];
	[sflag:s23] =	ssyncadd.s32 $0xFFFFFFFF  }
0xa5: {  	s26 =	simm.s32 $execute0_lowered;
	[smem:$0x3FD2] =	sst s25  }
0xa6: {  	s5 =	sshll.u32 s26, $0x1;
	_ =	strace $0x80000046;
	[dreg:$0x1] =	wrdreg $0xFFFFFFFF  }
0xa7: {  	s28 =	simm.s32 $_size_execute0_lowered;
	s3 =	sadd.s32 s3, s5;
	[dreg:$0x0] =	wrdreg $0x0  }
0xa8: {  	s5 =	sshll.u32 s28, $0x1;
	[dreg:$0x2] =	wrdreg s3  }
0xa9: {  	[dreg:$0x3] =	wrdreg s5  }
0xaa: {  	[dreg:$0x4] =	wrdreg $0xC0  }
0xab: {  	_ =	task [dreg:s7], $0x5FFFF  }
0xac: {  	[dreg:$0x1] =	wrdreg $0xFFFFFFFF  }
0xad: {  	[dreg:$0x0] =	wrdreg $0x60  }
0xae: {  	[dreg:$0x2] =	wrdreg s2  }
0xaf: {  	[dreg:$0x3] =	wrdreg s24  }
0xb0: {  	[dreg:$0x4] =	wrdreg $0x9  }
0xb1: {  	_ =	task.clear_ibuf [dreg:s7], $0x5FFFF;
	_ =	strace $0x90000046  }
0xb2: {  	s29 =	simm.s32 $0x9;
	_ =	strace $0x80000048  }
0xb3: {  	_ =	swait.ge [sflag:s29], $0x1  }
0xb4: {  	[sflag:s29] =	ssyncadd.s32 $0xFFFFFFFF  }
0xb5: {  	_ =	strace $0x90000048  }
0xb6: {  	_ =	sfence  }
0xb7: {  	s30 =	sld [smem:$0x0];
	_ =	sdelay $0x2  }
0xb8: {  	s31 =	sshll.u32 s1, $0xD;
	s1 =	sshrl.u32 s1, $0x2  }
0xb9: {  	s3 =	sand.u32 $0x4000, s31;
	s1 =	sadd.s32 s1, s30  }
0xba: {  	s0 =	sor.u32 s3, s0;
	s1 =	sshll.u32 s1, $0x11  }
0xbb: {  	s0 =	sor.u32 s1, s0  }
0xbc: {  	s0 =	sadd.s32 $0x8F2B, s0  }
0xbd: {  	[sflag:s0] =	ssyncadd.remote.s32 $0x1  }
0xbe: {  	_ =	sfence.sel $0xFFFF  }
0xbf: {  	[dreg:$0x0] =	wrdreg $0xFFFFFFFF;
	(pc) =	sbr.abs _section_cstart, $3  }
0xc0: {  	[dreg:$0x1] =	wrdreg $0xFFFFFFFF  }
0xc1: {  	_ =	task.clear_ibuf [dreg:s7], $0x2FFFF;
	_ =	strace $0x9FFFFFFF  }
0xc2: {  	(tm) =	ssettm $0x7FFFFFFF  }
0xc3: {  	_ =	shalt  }
tec
execute0_lowered:
.L_overlay_start_1:
0x0: {  	(tag) =	ssettag $0x1  }
0x1: {  	s1 =	srdreg.scid;
	s2 =	rddreg [dreg:$0x0]  }
0x2: {  	s0 =	stileid.u32;
	s5 =	rddreg [dreg:$0x1]  }
0x3: {  	s3 =	simm.s32 $0x0;
	s11 =	simm.s32 $0x80;
	s12 =	simm.s32 $0x100  }
0x4: {  	s13 =	simm.s32 $0x4100;
	s14 =	simm.s32 $0x8100;
	s15 =	simm.s32 $0x9900  }
0x5: {  	s16 =	simm.s32 $0x1;
	s4 =	sand.u32 $0x1, s1;
	s1 =	rddreg [dreg:$0x2]  }
0x6: {  	s17 =	simm.s32 $0x0;
	s30 =	sshll.u32 s0, $0x1;
	[smem:$0x7FF] =	sst s3  }
0x7: {  	s6 =	sor.u32 s4, s30;
	_ =	strace $0x80000047;
	s4 =	ssub.s32 $0x2, s4  }
0x8: {  	s7 =	smul.u32 $0x300, s6;
	s8 =	sshll.u32 s6, $0x5;
	s6 =	sshll.u32 s6, $0xC  }
0x9: {  	s31 =	sshrl.u32 s4, $0x1;
	s8 =	sadd.s32 s8, s5;
	s9 =	sadd.s32 s6, s5  }
0xa: {  	s10 =	ssub.s32 s4, s31;
	s7 =	sadd.s32 s7, s5;
	s4 =	sadd.s32 $0x9800, s8  }
0xb: {  	v1 =	vlaneseq.u32;
	s6 =	sadd.s32 $0x9000, s8;
	s8 =	sadd.s32 $0x9C00, s9;
	s5 =	sadd.s32 $0x3000, s7  }
0xc: {  	v0 =	vimm.f32 $0.0e+00;
	v1 =	vmul.u32 $0x80, v1;
	s7 =	sadd.s32 $0x29C00, s9;
	s9 =	smax.u32 s10, $0x1;
	s10 =	simm.s32 $0x2  }
.LBB2_1:
0xd: {  	[tilespmem:s3], [sflag:$0x2] =	stream.linear.gather [hbm4b:s4+s3], $0x100, $0x38;
	[tilespmem:$0x11A00] =	vst v63  }
0xe: {  	_ =	swait.ge [sflag:s10], $0x100  }
0xf: {  	[sflag:s10] =	ssyncset.done $0x0  }
0x10: {  	[sflag:s10] =	ssyncadd.s32 $0xFFFFFF00  }
0x11: {  	[tilespmem:s12], [sflag:$0x1] =	stream.indirect.gather [hbm4b:s2+s11], $0x80, s3, s11, $0xb8;
	[tilespmem:$0x11A00] =	vst v63  }
0x12: {  	_ = 	snop  }
0x13: {  	[tilespmem:s13], [sflag:$0x1] =	stream.indirect.gather [hbm4b:s2+s11], $0x80, s11, s11, $0xb8;
	[tilespmem:$0x11A00] =	vst v63  }
0x14: {  	_ = 	snop  }
0x15: {  	[tilespmem:s14], [sflag:$0x2] =	stream.linear.gather [hbm4b:s5+s3], $0x1800, $0x38;
	[tilespmem:$0x11A00] =	vst v63  }
0x16: {  	_ =	swait.ge [sflag:s10], $0x1800  }
0x17: {  	[sflag:s10] =	ssyncset.done $0x0  }
0x18: {  	s18 =	simm.s32 $0x0;
	s19 =	simm.s32 $0x800;
	[sflag:s10] =	ssyncadd.s32 $0xFFFFE800  }
.LBB2_2:
0x19: {  	p0 =	sne.s32 s19, $0x1F800;
	[tilespmem:s18+$0x9AF0] =	vst v0  }
0x1a: {  	[tilespmem:s18+$0x9900] =	vst v0  }
0x1b: {  	[tilespmem:s18+$0x9910] =	vst v0  }
0x1c: {  	[tilespmem:s18+$0x9920] =	vst v0  }
0x1d: {  	[tilespmem:s18+$0x9930] =	vst v0  }
0x1e: {  	[tilespmem:s18+$0x9940] =	vst v0  }
0x1f: {  	[tilespmem:s18+$0x9950] =	vst v0  }
0x20: {  	[tilespmem:s18+$0x9960] =	vst v0  }
0x21: {  	[tilespmem:s18+$0x9970] =	vst v0  }
0x22: {  	[tilespmem:s18+$0x9980] =	vst v0  }
0x23: {  	[tilespmem:s18+$0x9990] =	vst v0  }
0x24: {  	[tilespmem:s18+$0x99A0] =	vst v0  }
0x25: {  	[tilespmem:s18+$0x99B0] =	vst v0  }
0x26: {  	[tilespmem:s18+$0x99C0] =	vst v0  }
0x27: {  	[tilespmem:s18+$0x99D0] =	vst v0  }
0x28: {  	[tilespmem:s18+$0x99E0] =	vst v0  }
0x29: {  	[tilespmem:s18+$0x99F0] =	vst v0  }
0x2a: {  	[tilespmem:s18+$0x9A00] =	vst v0  }
0x2b: {  	[tilespmem:s18+$0x9A10] =	vst v0  }
0x2c: {  	[tilespmem:s18+$0x9A20] =	vst v0  }
0x2d: {  	[tilespmem:s18+$0x9A30] =	vst v0  }
0x2e: {  	[tilespmem:s18+$0x9A40] =	vst v0  }
0x2f: {  	[tilespmem:s18+$0x9A50] =	vst v0  }
0x30: {  	[tilespmem:s18+$0x9A60] =	vst v0  }
0x31: {  	[tilespmem:s18+$0x9A70] =	vst v0  }
0x32: {  	[tilespmem:s18+$0x9A80] =	vst v0  }
0x33: {  	[tilespmem:s18+$0x9A90] =	vst v0  }
.Ltmp0:
0x34: {  	[tilespmem:s18+$0x9AA0] =	vst v0;
	(pc) =	sbr.rel @p0 .LBB2_2-.Ltmp0, $4  }
0x35: {  	[tilespmem:s18+$0x9AB0] =	vst v0  }
0x36: {  	[tilespmem:s18+$0x9AC0] =	vst v0  }
0x37: {  	[tilespmem:s18+$0x9AD0] =	vst v0  }
0x38: {  	[tilespmem:s18+$0x9AE0] =	vst v0;
	s18 =	sshra.s32 s19, $0x2;
	s19 =	sadd.s32 $0x800, s19  }
0x39: {  	[tilespmem:s18+$0x9AF0] =	vst v0  }
0x3a: {  	[tilespmem:s18+$0x9900] =	vst v0  }
0x3b: {  	[tilespmem:s18+$0x9910] =	vst v0  }
0x3c: {  	[tilespmem:s18+$0x9920] =	vst v0  }
0x3d: {  	[tilespmem:s18+$0x9930] =	vst v0  }
0x3e: {  	[tilespmem:s18+$0x9940] =	vst v0  }
0x3f: {  	[tilespmem:s18+$0x9950] =	vst v0  }
0x40: {  	[tilespmem:s18+$0x9960] =	vst v0  }
0x41: {  	[tilespmem:s18+$0x9970] =	vst v0  }
0x42: {  	[tilespmem:s18+$0x9980] =	vst v0  }
0x43: {  	[tilespmem:s18+$0x9990] =	vst v0  }
0x44: {  	[tilespmem:s18+$0x99A0] =	vst v0  }
0x45: {  	[tilespmem:s18+$0x99B0] =	vst v0  }
0x46: {  	[tilespmem:s18+$0x99C0] =	vst v0  }
0x47: {  	[tilespmem:s18+$0x99D0] =	vst v0  }
0x48: {  	[tilespmem:s18+$0x99E0] =	vst v0  }
0x49: {  	[tilespmem:s18+$0x99F0] =	vst v0  }
0x4a: {  	[tilespmem:s18+$0x9A00] =	vst v0  }
0x4b: {  	[tilespmem:s18+$0x9A10] =	vst v0  }
0x4c: {  	[tilespmem:s18+$0x9A20] =	vst v0  }
0x4d: {  	[tilespmem:s18+$0x9A30] =	vst v0  }
0x4e: {  	[tilespmem:s18+$0x9A40] =	vst v0  }
0x4f: {  	[tilespmem:s18+$0x9A50] =	vst v0  }
0x50: {  	[tilespmem:s18+$0x9A60] =	vst v0  }
0x51: {  	[tilespmem:s18+$0x9A70] =	vst v0  }
0x52: {  	[tilespmem:s18+$0x9A80] =	vst v0  }
0x53: {  	[tilespmem:s18+$0x9A90] =	vst v0  }
0x54: {  	[tilespmem:s18+$0x9AA0] =	vst v0  }
0x55: {  	[tilespmem:s18+$0x9AB0] =	vst v0  }
0x56: {  	[tilespmem:s18+$0x9AC0] =	vst v0  }
0x57: {  	[tilespmem:s18+$0x9AD0] =	vst v0  }
0x58: {  	[tilespmem:s18+$0x9AE0] =	vst v0;
	s18 =	simm.s32 $0x0;
	s19 =	simm.s32 $0x11900  }
0x59: {  	[tilespmem:s19], [sflag:$0x2] =	stream.linear.gather [hbm4b:s6+s18], $0x100, $0x38;
	[tilespmem:$0x11A00] =	vst v63  }
0x5a: {  	_ =	swait.ge [sflag:s10], $0x100  }
0x5b: {  	[sflag:s10] =	ssyncset.done $0x0  }
0x5c: {  	s20 =	simm.s32 $0x0;
	[sflag:s10] =	ssyncadd.s32 $0xFFFFFF00  }
.LBB2_4:
0x5d: {  	v2 =	vmov s20  }
0x5e: {  	v2 =	vshll.u32 v2, $0x7  }
0x5f: {  	v2 =	vor.u32 v1, v2  }
0x60: {  	v3 =	vld [tilespmem:s19+$0x0];
	v4 =	vor.u32 $0x7F, v2;
	_ =	sdelay $0x3  }
0x61: {  	s21 =	sand.u32 $0x70, s20;
	s22 =	sand.u32 $0x400, s18  }
0x62: {  	s21 =	sor.u32 s21, s22;
	[tilespmem:v4+s15+$0x0] =	vst.idx.msk $0xffff, v3  }
0x63: {  	v3 =	vld [tilespmem:s21+$0x8100];
	_ =	sdelay $0x4  }
0x64: {  	v44 =	vand.u32 $0xFFFFFF80, v3  }
0x65: {  	v3 =	vand.u32 $0x7F, v3;
	v4 =	vadd.s32 v2, v44  }
0x66: {  	v3 =	vor.u32 v3, v4;
	_ =	sdelay $0x4  }
0x67: {  	v4 =	vld.idx.msk [tilespmem:v3+s15+$0x0], $0xffff;
	_ =	sdelay $0x4  }
0x68: {  	v4 =	vadd.f32 $1.000000000e+00, v4;
	_ =	sdelay $0x1  }
0x69: {  	[tilespmem:v3+s15+$0x0] =	vst.idx.msk $0xffff, v4  }
0x6a: {  	v3 =	vld [tilespmem:s21+$0x8180];
	_ =	sdelay $0x4  }
0x6b: {  	v45 =	vand.u32 $0xFFFFFF80, v3  }
0x6c: {  	v3 =	vand.u32 $0x7F, v3;
	v4 =	vadd.s32 v2, v45  }
0x6d: {  	v3 =	vor.u32 v3, v4;
	_ =	sdelay $0x4  }
0x6e: {  	v4 =	vld.idx.msk [tilespmem:v3+s15+$0x0], $0xffff;
	_ =	sdelay $0x4  }
0x6f: {  	v4 =	vadd.f32 $1.000000000e+00, v4;
	_ =	sdelay $0x1  }
0x70: {  	[tilespmem:v3+s15+$0x0] =	vst.idx.msk $0xffff, v4  }
0x71: {  	v3 =	vld [tilespmem:s21+$0x8200];
	_ =	sdelay $0x4  }
0x72: {  	v46 =	vand.u32 $0xFFFFFF80, v3  }
0x73: {  	v3 =	vand.u32 $0x7F, v3;
	v4 =	vadd.s32 v2, v46  }
0x74: {  	v3 =	vor.u32 v3, v4;
	_ =	sdelay $0x4  }
0x75: {  	v4 =	vld.idx.msk [tilespmem:v3+s15+$0x0], $0xffff;
	_ =	sdelay $0x4  }
0x76: {  	v4 =	vadd.f32 $1.000000000e+00, v4;
	_ =	sdelay $0x1  }
0x77: {  	[tilespmem:v3+s15+$0x0] =	vst.idx.msk $0xffff, v4  }
0x78: {  	v3 =	vld [tilespmem:s21+$0x8280];
	_ =	sdelay $0x4  }
0x79: {  	v47 =	vand.u32 $0xFFFFFF80, v3  }
0x7a: {  	v3 =	vand.u32 $0x7F, v3;
	v4 =	vadd.s32 v2, v47  }
0x7b: {  	v3 =	vor.u32 v3, v4;
	_ =	sdelay $0x4  }
0x7c: {  	v4 =	vld.idx.msk [tilespmem:v3+s15+$0x0], $0xffff;
	_ =	sdelay $0x4  }
0x7d: {  	v4 =	vadd.f32 $1.000000000e+00, v4;
	_ =	sdelay $0x1  }
0x7e: {  	[tilespmem:v3+s15+$0x0] =	vst.idx.msk $0xffff, v4  }
0x7f: {  	v3 =	vld [tilespmem:s21+$0x8300];
	_ =	sdelay $0x4  }
0x80: {  	v48 =	vand.u32 $0xFFFFFF80, v3  }
0x81: {  	v3 =	vand.u32 $0x7F, v3;
	v4 =	vadd.s32 v2, v48  }
0x82: {  	v3 =	vor.u32 v3, v4;
	_ =	sdelay $0x4  }
0x83: {  	v4 =	vld.idx.msk [tilespmem:v3+s15+$0x0], $0xffff;
	_ =	sdelay $0x4  }
0x84: {  	v4 =	vadd.f32 $1.000000000e+00, v4;
	_ =	sdelay $0x1  }
0x85: {  	[tilespmem:v3+s15+$0x0] =	vst.idx.msk $0xffff, v4  }
0x86: {  	v3 =	vld [tilespmem:s21+$0x8380];
	_ =	sdelay $0x4  }
0x87: {  	v49 =	vand.u32 $0xFFFFFF80, v3  }
0x88: {  	v3 =	vand.u32 $0x7F, v3;
	v4 =	vadd.s32 v2, v49  }
0x89: {  	v3 =	vor.u32 v3, v4;
	_ =	sdelay $0x4  }
0x8a: {  	v4 =	vld.idx.msk [tilespmem:v3+s15+$0x0], $0xffff;
	_ =	sdelay $0x4  }
0x8b: {  	v4 =	vadd.f32 $1.000000000e+00, v4;
	_ =	sdelay $0x1  }
0x8c: {  	[tilespmem:v3+s15+$0x0] =	vst.idx.msk $0xffff, v4  }
0x8d: {  	v3 =	vld [tilespmem:s21+$0x8400];
	_ =	sdelay $0x4  }
0x8e: {  	v50 =	vand.u32 $0xFFFFFF80, v3  }
0x8f: {  	v3 =	vand.u32 $0x7F, v3;
	v4 =	vadd.s32 v2, v50  }
0x90: {  	v3 =	vor.u32 v3, v4;
	_ =	sdelay $0x4  }
0x91: {  	v4 =	vld.idx.msk [tilespmem:v3+s15+$0x0], $0xffff;
	_ =	sdelay $0x4  }
0x92: {  	v4 =	vadd.f32 $1.000000000e+00, v4  }
0x93: {  	s31 =	sor.u32 s18, s20  }
0x94: {  	s22 =	sor.u32 $0x380, s31;
	[tilespmem:v3+s15+$0x0] =	vst.idx.msk $0xffff, v4  }
0x95: {  	v3 =	vld [tilespmem:s22+$0x8100];
	_ =	sdelay $0x4  }
0x96: {  	v51 =	vand.u32 $0xFFFFFF80, v3  }
0x97: {  	v3 =	vand.u32 $0x7F, v3;
	v4 =	vadd.s32 v2, v51  }
0x98: {  	v3 =	vor.u32 v3, v4;
	_ =	sdelay $0x4  }
0x99: {  	v4 =	vld.idx.msk [tilespmem:v3+s15+$0x0], $0xffff;
	_ =	sdelay $0x4  }
0x9a: {  	v4 =	vadd.f32 $1.000000000e+00, v4;
	_ =	sdelay $0x1  }
0x9b: {  	[tilespmem:v3+s15+$0x0] =	vst.idx.msk $0xffff, v4  }
0x9c: {  	v3 =	vld [tilespmem:s21+$0x8900];
	_ =	sdelay $0x4  }
0x9d: {  	v52 =	vand.u32 $0xFFFFFF80, v3  }
0x9e: {  	v3 =	vand.u32 $0x7F, v3;
	v4 =	vadd.s32 v2, v52  }
0x9f: {  	v3 =	vor.u32 v3, v4;
	_ =	sdelay $0x4  }
0xa0: {  	v4 =	vld.idx.msk [tilespmem:v3+s15+$0x0], $0xffff;
	_ =	sdelay $0x4  }
0xa1: {  	v4 =	vadd.f32 $1.000000000e+00, v4;
	_ =	sdelay $0x1  }
0xa2: {  	[tilespmem:v3+s15+$0x0] =	vst.idx.msk $0xffff, v4  }
0xa3: {  	v3 =	vld [tilespmem:s21+$0x8980];
	_ =	sdelay $0x4  }
0xa4: {  	v53 =	vand.u32 $0xFFFFFF80, v3  }
0xa5: {  	v3 =	vand.u32 $0x7F, v3;
	v4 =	vadd.s32 v2, v53  }
0xa6: {  	v3 =	vor.u32 v3, v4;
	_ =	sdelay $0x4  }
0xa7: {  	v4 =	vld.idx.msk [tilespmem:v3+s15+$0x0], $0xffff;
	_ =	sdelay $0x4  }
0xa8: {  	v4 =	vadd.f32 $1.000000000e+00, v4;
	_ =	sdelay $0x1  }
0xa9: {  	[tilespmem:v3+s15+$0x0] =	vst.idx.msk $0xffff, v4  }
0xaa: {  	v3 =	vld [tilespmem:s21+$0x8A00];
	_ =	sdelay $0x4  }
0xab: {  	v54 =	vand.u32 $0xFFFFFF80, v3  }
0xac: {  	v3 =	vand.u32 $0x7F, v3;
	v4 =	vadd.s32 v2, v54  }
0xad: {  	v3 =	vor.u32 v3, v4;
	_ =	sdelay $0x4  }
0xae: {  	v4 =	vld.idx.msk [tilespmem:v3+s15+$0x0], $0xffff;
	_ =	sdelay $0x4  }
0xaf: {  	v4 =	vadd.f32 $1.000000000e+00, v4;
	_ =	sdelay $0x1  }
0xb0: {  	[tilespmem:v3+s15+$0x0] =	vst.idx.msk $0xffff, v4  }
0xb1: {  	v3 =	vld [tilespmem:s21+$0x8A80];
	_ =	sdelay $0x4  }
0xb2: {  	v55 =	vand.u32 $0xFFFFFF80, v3  }
0xb3: {  	v3 =	vand.u32 $0x7F, v3;
	v4 =	vadd.s32 v2, v55  }
0xb4: {  	v3 =	vor.u32 v3, v4;
	_ =	sdelay $0x4  }
0xb5: {  	v4 =	vld.idx.msk [tilespmem:v3+s15+$0x0], $0xffff;
	_ =	sdelay $0x4  }
0xb6: {  	v4 =	vadd.f32 $1.000000000e+00, v4;
	_ =	sdelay $0x1  }
0xb7: {  	[tilespmem:v3+s15+$0x0] =	vst.idx.msk $0xffff, v4  }
0xb8: {  	v3 =	vld [tilespmem:s21+$0x8B00];
	_ =	sdelay $0x4  }
0xb9: {  	v56 =	vand.u32 $0xFFFFFF80, v3  }
0xba: {  	v3 =	vand.u32 $0x7F, v3;
	v4 =	vadd.s32 v2, v56  }
0xbb: {  	v3 =	vor.u32 v3, v4;
	_ =	sdelay $0x4  }
0xbc: {  	v4 =	vld.idx.msk [tilespmem:v3+s15+$0x0], $0xffff;
	_ =	sdelay $0x4  }
0xbd: {  	v4 =	vadd.f32 $1.000000000e+00, v4;
	_ =	sdelay $0x1  }
0xbe: {  	[tilespmem:v3+s15+$0x0] =	vst.idx.msk $0xffff, v4  }
0xbf: {  	v3 =	vld [tilespmem:s21+$0x8B80];
	_ =	sdelay $0x4  }
0xc0: {  	v57 =	vand.u32 $0xFFFFFF80, v3  }
0xc1: {  	v3 =	vand.u32 $0x7F, v3;
	v4 =	vadd.s32 v2, v57  }
0xc2: {  	v3 =	vor.u32 v3, v4;
	_ =	sdelay $0x4  }
0xc3: {  	v4 =	vld.idx.msk [tilespmem:v3+s15+$0x0], $0xffff;
	_ =	sdelay $0x4  }
0xc4: {  	v4 =	vadd.f32 $1.000000000e+00, v4;
	_ =	sdelay $0x1  }
0xc5: {  	[tilespmem:v3+s15+$0x0] =	vst.idx.msk $0xffff, v4  }
0xc6: {  	v3 =	vld [tilespmem:s21+$0x8C00];
	_ =	sdelay $0x4  }
0xc7: {  	v58 =	vand.u32 $0xFFFFFF80, v3  }
0xc8: {  	v3 =	vand.u32 $0x7F, v3;
	v4 =	vadd.s32 v2, v58  }
0xc9: {  	v3 =	vor.u32 v3, v4;
	_ =	sdelay $0x4  }
0xca: {  	v4 =	vld.idx.msk [tilespmem:v3+s15+$0x0], $0xffff;
	_ =	sdelay $0x4  }
0xcb: {  	v4 =	vadd.f32 $1.000000000e+00, v4;
	_ =	sdelay $0x1  }
0xcc: {  	[tilespmem:v3+s15+$0x0] =	vst.idx.msk $0xffff, v4  }
0xcd: {  	v3 =	vld [tilespmem:s21+$0x8C80];
	_ =	sdelay $0x4  }
0xce: {  	v59 =	vand.u32 $0xFFFFFF80, v3  }
0xcf: {  	v3 =	vand.u32 $0x7F, v3;
	v4 =	vadd.s32 v2, v59  }
0xd0: {  	v3 =	vor.u32 v3, v4;
	_ =	sdelay $0x4  }
0xd1: {  	v4 =	vld.idx.msk [tilespmem:v3+s15+$0x0], $0xffff;
	_ =	sdelay $0x4  }
0xd2: {  	v4 =	vadd.f32 $1.000000000e+00, v4;
	_ =	sdelay $0x1  }
0xd3: {  	[tilespmem:v3+s15+$0x0] =	vst.idx.msk $0xffff, v4  }
0xd4: {  	v3 =	vld [tilespmem:s21+$0x9100];
	_ =	sdelay $0x4  }
0xd5: {  	v60 =	vand.u32 $0xFFFFFF80, v3  }
0xd6: {  	v3 =	vand.u32 $0x7F, v3;
	v4 =	vadd.s32 v2, v60  }
0xd7: {  	v3 =	vor.u32 v3, v4;
	_ =	sdelay $0x4  }
0xd8: {  	v4 =	vld.idx.msk [tilespmem:v3+s15+$0x0], $0xffff;
	_ =	sdelay $0x4  }
0xd9: {  	v4 =	vadd.f32 $1.000000000e+00, v4;
	_ =	sdelay $0x1  }
0xda: {  	[tilespmem:v3+s15+$0x0] =	vst.idx.msk $0xffff, v4  }
0xdb: {  	v3 =	vld [tilespmem:s21+$0x9180];
	_ =	sdelay $0x4  }
0xdc: {  	v61 =	vand.u32 $0xFFFFFF80, v3  }
0xdd: {  	v3 =	vand.u32 $0x7F, v3;
	v4 =	vadd.s32 v2, v61  }
0xde: {  	v3 =	vor.u32 v3, v4;
	_ =	sdelay $0x4  }
0xdf: {  	v4 =	vld.idx.msk [tilespmem:v3+s15+$0x0], $0xffff;
	_ =	sdelay $0x4  }
0xe0: {  	v4 =	vadd.f32 $1.000000000e+00, v4;
	_ =	sdelay $0x1  }
0xe1: {  	[tilespmem:v3+s15+$0x0] =	vst.idx.msk $0xffff, v4  }
0xe2: {  	v3 =	vld [tilespmem:s21+$0x9200];
	_ =	sdelay $0x4  }
0xe3: {  	v62 =	vand.u32 $0xFFFFFF80, v3  }
0xe4: {  	v3 =	vand.u32 $0x7F, v3;
	v4 =	vadd.s32 v2, v62  }
0xe5: {  	v3 =	vor.u32 v3, v4;
	_ =	sdelay $0x4  }
0xe6: {  	v4 =	vld.idx.msk [tilespmem:v3+s15+$0x0], $0xffff;
	_ =	sdelay $0x4  }
0xe7: {  	v4 =	vadd.f32 $1.000000000e+00, v4;
	_ =	sdelay $0x1  }
0xe8: {  	[tilespmem:v3+s15+$0x0] =	vst.idx.msk $0xffff, v4  }
0xe9: {  	v3 =	vld [tilespmem:s21+$0x9280];
	_ =	sdelay $0x4  }
0xea: {  	v63 =	vand.u32 $0xFFFFFF80, v3  }
0xeb: {  	v3 =	vand.u32 $0x7F, v3;
	v2 =	vadd.s32 v2, v63  }
0xec: {  	v2 =	vor.u32 v3, v2;
	_ =	sdelay $0x4  }
0xed: {  	v3 =	vld.idx.msk [tilespmem:v2+s15+$0x0], $0xffff;
	_ =	sdelay $0x1  }
0xee: {  	p0 =	sne.s32 s20, $0xF0  }
.Ltmp1:
0xef: {  	_ = 	snop;
	(pc) =	sbr.rel @p0 .LBB2_4-.Ltmp1, $3  }
0xf0: {  	_ = 	snop  }
0xf1: {  	v3 =	vadd.f32 $1.000000000e+00, v3;
	_ =	sdelay $0x1  }
0xf2: {  	s18 =	sadd.s32 $0x80, s18;
	s19 =	sadd.s32 $0x10, s19;
	s20 =	sadd.s32 $0x10, s20;
	[tilespmem:v2+s15+$0x0] =	vst.idx.msk $0xffff, v3  }
0xf3: {  	[hbm4b:s7+s3] =	stream.linear.scatter [tilespmem:s15], [sflag:$0x2], $0x8000, $0x38;
	[tilespmem:$0x11A00] =	vst v63  }
0xf4: {  	_ =	swait.ge [sflag:s10], $0x8000  }
0xf5: {  	[sflag:s10] =	ssyncset.done $0x0  }
0xf6: {  	[sflag:s10] =	ssyncadd.s32 $0xFFFF8000  }
0xf7: {  	_ =	swait.ge [sflag:s16], $0x4000  }
0xf8: {  	[sflag:s16] =	ssyncset.done $0x0  }
0xf9: {  	[sflag:s16] =	ssyncadd.s32 $0xFFFFC000  }
0xfa: {  	s17 =	sadd.s32 $0x1, s17;
	_ =	swait.ge [sflag:s16], $0x4000  }
0xfb: {  	p0 =	sne.s32 s17, s9;
	[sflag:s16] =	ssyncset.done $0x0  }
.Ltmp2:
0xfc: {  	[sflag:s16] =	ssyncadd.s32 $0xFFFFC000;
	(pc) =	sbr.rel @p0 .LBB2_1-.Ltmp2, $4  }
0xfd: {  	[hbm4b:s8+s3] =	stream.linear.scatter [tilespmem:s12], [sflag:$0x2], $0x8000, $0x38;
	[tilespmem:$0x11A00] =	vst v63  }
0xfe: {  	_ =	swait.ge [sflag:s10], $0x8000  }
0xff: {  	[sflag:s10] =	ssyncset.done $0x0  }
0x100: {  	[sflag:s10] =	ssyncadd.s32 $0xFFFF8000  }
0x101: {  	_ =	sfence.sel $0x180000  }
0x102: {  	[bflag:$0x0] =	sbarrier.arrive $0xFFFF  }
0x103: {  	p0 =	sne.s32 s0, $0x0;
	_ =	strace $0x90000047  }
0x104: {  	s0 =	sadd.s32 @!p0 $0x100000, s1;
	[bflag:$0x2] =	sbarrier.arrive $0xFFFF  }
0x105: {  	[sflag:s0] =	ssyncadd.tile.s32 @!p0 $0x1;
	_ =	shalt  }
.Lfunc_end2:
_tile_overlayer_lowered:
.L_overlay_start_2:
0x106: {  	(tag) =	ssettag $0x2  }
0x107: {  	s0 =	rddreg [dreg:$0x0];
	s2 =	stileid.u32  }
0x108: {  	s1 =	rddreg [dreg:$0x1];
	p0 =	sne.s32 s2, $0x0  }
0x109: {  	s3 =	rddreg [dreg:$0x2];
	[bflag:$0x3] =	sbarrier.arrive $0xFFFF;
	s2 =	simm.s32 @!p0 $0x1C02  }
0x10a: {  	[timem:s3], [sflag:s2] =	dma.local @!p0 [hbm:s0], s1  }
0x10b: {  	s0 =	simm.s32 @!p0 $0x2  }
0x10c: {  	_ =	swait.ge @!p0 [sflag:s0], s1  }
0x10d: {  	s1 =	ssub.s32 @!p0 $0x0, s1;
	[sflag:s0] =	ssyncset.done @!p0 $0x0  }
0x10e: {  	[sflag:s0] =	ssyncadd.s32 @!p0 s1  }
0x10f: {  	[bflag:$0x3] =	sbarrier.arrive $0xFFFF  }
0x110: {  	_ =	shalt  }

// kernel: kernel.9.cloned.1.call-start
scs
__scs_entry_jumppad:
0x0: {  	(pc) =	sbr.rel $0x88, $3  }
0x1: {  	(tag) =	ssettag $0x0;
	lr =	simm.s32 $0x1  }
0x2: {  	[smem:$0x3F96] =	sst lr;
	_ =	strace $0xD0000000  }
0x3: {  	_ = 	snop  }
0x4: {  	_ = 	snop  }
0x5: {  	_ = 	snop  }
0x6: {  	_ = 	snop  }
0x7: {  	_ = 	snop  }
__scs_overlays_trampoline_lowered:
0x8: {  	[smem:$0x3FA5] =	sst s0  }
0x9: {  	[smem:$0x3FA6] =	sst s1  }
0xa: {  	[smem:$0x3FA7] =	sst s2  }
0xb: {  	[smem:$0x3FA8] =	sst s3  }
0xc: {  	[smem:$0x3FA9] =	sst s4  }
0xd: {  	[smem:$0x3FAA] =	sst s5  }
0xe: {  	[smem:$0x3FAB] =	sst s6  }
0xf: {  	[smem:$0x3FAC] =	sst s7  }
0x10: {  	[smem:$0x3FAD] =	sst s8  }
0x11: {  	[smem:$0x3FAE] =	sst s9;
	s0 =	simm.s32 @!p0 $0x0  }
0x12: {  	s1 =	sld [smem:$0x3F94];
	s0 =	simm.s32 @p0 $0x1  }
0x13: {  	[smem:$0x3FAF] =	sst s0;
	s0 =	simm.s32 @!p1 $0x0  }
0x14: {  	s2 =	sld [smem:$0x3F93];
	s0 =	simm.s32 @p1 $0x1  }
0x15: {  	[smem:$0x3FB0] =	sst s0;
	s0 =	simm.s32 @!p2 $0x0  }
0x16: {  	s3 =	sld [smem:$0x3FDB];
	s0 =	simm.s32 @p2 $0x1  }
0x17: {  	s4 =	simm.s32 $0x1BF5;
	[smem:$0x3FB2] =	sst s0  }
0x18: {  	s0 =	sld [smem:$0x3F95];
	_ =	swait.ge [sflag:s4], $0x0  }
0x19: {  	s7 =	sld [smem:$0x3F96]  }
0x1a: {  	s8 =	sadd.s32 $0xFFFFE003, lr  }
0x1b: {  	s9 =	sadd.s32 $0xFFFFFEF7, lr;
	s5 =	simm.s32 $0xFFFFFFFF;
	p2 =	slt.u32 s8, $0xFFFFF086  }
0x1c: {  	p1 =	slt.u32 s9, $0xF7A;
	s5 =	simm.s32 @!p2 $0x0  }
0x1d: {  	s5 =	simm.s32 @p1 $0x1;
	p0 =	seq.s32 s7, s2  }
0x1e: {  	s7 =	smul.u32 @!p0 $0xF7A, s2;
	p2 =	seq.s32 @!p0 s5, $0x0  }
0x1f: {  	s9 =	smul.u32 $0xF7A, s1;
	s8 =	simm.s32 @!p0 $0x1BF5;
	p2 =	por !p2, p0  }
0x20: {  	[sflag:s8] =	ssyncset.s32 @!p0 $0xFFFFF086;
	s6 =	sadd.s32 @!p0 s3, s7;
	s7 =	simm.s32 @!p0 $0x108  }
0x21: {  	s3 =	sadd.s32 s3, s9;
	s6 =	sadd.s32 @!p0 $0x88, s6;
	s7 =	simm.s32 @p2 $0x1082  }
0x22: {  	[simem:s7], [sflag:s8] =	dma.local @!p0 [hbm:s6], $0xF7A  }
0x23: {  	s9 =	sor.u32 $0xD0000000, s2;
	s6 =	simm.s32 $0x108;
	_ =	swait.ge @!p0 [sflag:s8], $0x0  }
0x24: {  	s3 =	sadd.s32 $0x88, s3;
	s6 =	simm.s32 @!p1 $0x1082;
	[sflag:s4] =	ssyncset.s32 $0xFFFFF086  }
0x25: {  	[simem:s6], [sflag:s4] =	dma.local [hbm:s3], $0xF7A  }
0x26: {  	[smem:$0x3F96] =	sst s1;
	(tag) =	ssettag s2;
	_ =	strace s9  }
0x27: {  	s1 =	sld [smem:$0x3FA6]  }
0x28: {  	s2 =	sld [smem:$0x3FA7]  }
0x29: {  	s4 =	sld [smem:$0x3FA9]  }
0x2a: {  	p0 =	seq.s32 s5, $0x0;
	s5 =	sld [smem:$0x3FAA]  }
0x2b: {  	s6 =	sld [smem:$0x3FAB]  }
0x2c: {  	s7 =	sld [smem:$0x3FAC]  }
0x2d: {  	s3 =	simm.s32 $0x108;
	s8 =	sld [smem:$0x3FAD]  }
0x2e: {  	s3 =	simm.s32 @!p0 $0x1082;
	s9 =	sld [smem:$0x3FAE]  }
0x2f: {  	lr =	sadd.s32 s0, s3;
	s0 =	sld [smem:$0x3FA5]  }
0x30: {  	s3 =	sld [smem:$0x3FA8]  }
0x31: {  	[smem:$0x3FB1] =	sst s10  }
0x32: {  	s10 =	sld [smem:$0x3FAF];
	_ =	sdelay $0x3  }
0x33: {  	p0 =	seq.s32 s10, $0x1;
	s10 =	sld [smem:$0x3FB1];
	_ =	sdelay $0x3  }
0x34: {  	[smem:$0x3FB1] =	sst s10  }
0x35: {  	s10 =	sld [smem:$0x3FB0];
	_ =	sdelay $0x3  }
0x36: {  	p1 =	seq.s32 s10, $0x1;
	s10 =	sld [smem:$0x3FB1];
	_ =	sdelay $0x3  }
0x37: {  	[smem:$0x3FB1] =	sst s10  }
0x38: {  	s10 =	sld [smem:$0x3FB2]  }
0x39: {  	_ = 	snop;
	(pc) =	sbr.ind lr, $3  }
0x3a: {  	_ = 	snop  }
0x3b: {  	_ = 	snop  }
0x3c: {  	p2 =	seq.s32 s10, $0x1;
	s10 =	sld [smem:$0x3FB1]  }
0x3d: {  	_ =	shalt  }
0x3e: {  	_ =	shalt  }
0x3f: {  	_ =	shalt  }
0x40: {  	_ =	shalt  }
0x41: {  	_ =	shalt  }
0x42: {  	_ =	shalt  }
0x43: {  	_ =	shalt  }
0x44: {  	_ =	shalt  }
0x45: {  	_ =	shalt  }
0x46: {  	_ =	shalt  }
0x47: {  	_ =	shalt  }
0x48: {  	_ =	shalt  }
0x49: {  	_ =	shalt  }
0x4a: {  	_ =	shalt  }
0x4b: {  	_ =	shalt  }
0x4c: {  	_ =	shalt  }
0x4d: {  	_ =	shalt  }
0x4e: {  	_ =	shalt  }
0x4f: {  	_ =	shalt  }
0x50: {  	_ =	shalt  }
0x51: {  	_ =	shalt  }
0x52: {  	_ =	shalt  }
0x53: {  	_ =	shalt  }
0x54: {  	_ =	shalt  }
0x55: {  	_ =	shalt  }
0x56: {  	_ =	shalt  }
0x57: {  	_ =	shalt  }
0x58: {  	_ =	shalt  }
0x59: {  	_ =	shalt  }
0x5a: {  	_ =	shalt  }
0x5b: {  	_ =	shalt  }
0x5c: {  	_ =	shalt  }
0x5d: {  	_ =	shalt  }
0x5e: {  	_ =	shalt  }
0x5f: {  	_ =	shalt  }
0x60: {  	_ =	shalt  }
0x61: {  	_ =	shalt  }
0x62: {  	_ =	shalt  }
0x63: {  	_ =	shalt  }
0x64: {  	_ =	shalt  }
0x65: {  	_ =	shalt  }
0x66: {  	_ =	shalt  }
0x67: {  	_ =	shalt  }
0x68: {  	_ =	shalt  }
0x69: {  	_ =	shalt  }
0x6a: {  	_ =	shalt  }
0x6b: {  	_ =	shalt  }
0x6c: {  	_ =	shalt  }
0x6d: {  	_ =	shalt  }
0x6e: {  	_ =	shalt  }
0x6f: {  	_ =	shalt  }
0x70: {  	_ =	shalt  }
0x71: {  	_ =	shalt  }
0x72: {  	_ =	shalt  }
0x73: {  	_ =	shalt  }
0x74: {  	_ =	shalt  }
0x75: {  	_ =	shalt  }
0x76: {  	_ =	shalt  }
0x77: {  	_ =	shalt  }
0x78: {  	_ =	shalt  }
0x79: {  	_ =	shalt  }
0x7a: {  	_ =	shalt  }
0x7b: {  	_ =	shalt  }
0x7c: {  	_ =	shalt  }
0x7d: {  	_ =	shalt  }
0x7e: {  	_ =	shalt  }
0x7f: {  	_ =	shalt  }
0x80: {  	_ =	shalt  }
0x81: {  	_ =	shalt  }
0x82: {  	_ =	shalt  }
0x83: {  	_ =	shalt  }
0x84: {  	_ =	shalt  }
0x85: {  	_ =	shalt  }
0x86: {  	_ =	shalt  }
0x87: {  	_ =	shalt  }
.Lfunc_end0:
.L_simem_size_0:
called_computation.1_lowered:
.L_overlay_start_0:
0x88: {  	s2 =	sld [smem:$0x3FD9]  }
0x89: {  	s3 =	sld [smem:$0x3FFE];
	_ =	sdelay $0x1  }
0x8a: {  	s1 =	srdreg.scid  }
0x8b: {  	s0 =	sand.u32 $0x1, s1  }
0x8c: {  	s17 =	sshll.u32 s0, $0xA;
	s2 =	sadd.s32 s3, s2  }
0x8d: {  	s2 =	sadd.s32 s2, s17  }
0x8e: {  	[smem:$0x3FBD] =	sst s2  }
0x8f: {  	_ = 	snop  }
0x90: {  	s18 =	sld [smem:$0x3FC6]  }
0x91: {  	s4 =	sld [smem:$0x3FD0];
	(tm) =	ssettm $0x1  }
0x92: {  	s19 =	sld [smem:$0x3FFB];
	_ =	sdelay $0x3  }
0x93: {  	_ =	strace s19  }
0x94: {  	s2 =	sld [smem:$0x3FFC];
	_ =	sdelay $0x3  }
0x95: {  	_ =	strace s2  }
0x96: {  	s2 =	sld [smem:$0x3FFD];
	_ =	sdelay $0x3  }
0x97: {  	_ =	strace s2  }
0x98: {  	_ =	strace $0x8FFFFFFF  }
0x99: {  	s20 =	sld [smem:$0x3FDB];
	_ =	sdelay $0x1  }
0x9a: {  	s5 =	simm.s32 $_scs_section_size  }
0x9b: {  	s6 =	simm.s32 $_size__tile_overlayer_lowered;
	s7 =	simm.s32 $_tile_overlayer_lowered  }
0x9c: {  	s8 =	simm.s32 $0x1BFF;
	s21 =	sshll.u32 s7, $0x1;
	s5 =	sadd.s32 s5, s20  }
0x9d: {  	s22 =	simm.s32 $0x0;
	s6 =	sshll.u32 s6, $0x1;
	s7 =	sadd.s32 s21, s5  }
0x9e: {  	[timem:s22], [sflag:s8] =	dma.local [hbm:s7], s6  }
0x9f: {  	_ =	swait.ge [sflag:s8], s6  }
0xa0: {  	s6 =	ssub.s32 $0x0, s6;
	[sflag:s8] =	ssyncset.done $0x0  }
0xa1: {  	[sflag:s8] =	ssyncadd.s32 s6;
	_ =	sdelay $0x1  }
0xa2: {  	s23 =	simm.s32 $0x1B8B  }
0xa3: {  	_ =	swait.ge [sflag:s23], $0x1  }
0xa4: {  	[sflag:s23] =	ssyncset.done $0x0  }
0xa5: {  	[sflag:s23] =	ssyncadd.s32 $0xFFFFFFFF  }
0xa6: {  	s6 =	sld [smem:$0x0]  }
0xa7: {  	s7 =	sand.u32 $0xFFFFFFFE, s1  }
0xa8: {  	p0 =	sne.s32 s1, s7  }
0xa9: {  	s7 =	sshll.u32 @p0 s7, $0xE  }
0xaa: {  	s7 =	sadd.s32 @p0 $0x11B8D, s7;
	s8 =	sshll.u32 @p0 s6, $0x11  }
0xab: {  	s7 =	sor.u32 @p0 s8, s7  }
0xac: {  	[sflag:s7] =	ssyncadd.remote.s32 @p0 $0x1;
	_ =	sdelay $0x1  }
0xad: {  	s7 =	simm.s32 @p0 $0x1B8D  }
0xae: {  	_ =	swait.eq @p0 [sflag:s7], $0x1  }
0xaf: {  	[sflag:s7] =	ssyncadd.s32 @p0 $0xFFFFFFFF  }
0xb0: {  	s8 =	sshll.u32 @!p0 s1, $0xE  }
0xb1: {  	s8 =	sor.u32 @!p0 $0x4000, s8;
	s7 =	simm.s32 @!p0 $0x1B8D  }
0xb2: {  	s6 =	sshll.u32 @!p0 s6, $0x11;
	s8 =	sadd.s32 @!p0 $0x11B8D, s8;
	_ =	swait.eq @!p0 [sflag:s7], $0x1  }
0xb3: {  	s6 =	sor.u32 @!p0 s6, s8;
	[sflag:s7] =	ssyncadd.s32 @!p0 $0xFFFFFFFF  }
0xb4: {  	s25 =	simm.s32 $0x1B8E;
	s24 =	sld [smem:$0x3FFE];
	[sflag:s6] =	ssyncadd.remote.s32 @!p0 $0x1  }
0xb5: {  	s26 =	simm.s32 $execute0_lowered;
	[smem:$0x3FD2] =	sst s25  }
0xb6: {  	s7 =	sshll.u32 s26, $0x1;
	_ =	strace $0x80000049;
	[dreg:$0x1] =	wrdreg $0xFFFFFFFF  }
0xb7: {  	s28 =	simm.s32 $_size_execute0_lowered;
	s5 =	sadd.s32 s5, s7;
	[dreg:$0x0] =	wrdreg $0x0  }
0xb8: {  	s7 =	sshll.u32 s28, $0x1;
	[dreg:$0x2] =	wrdreg s5  }
0xb9: {  	[dreg:$0x3] =	wrdreg s7  }
0xba: {  	[dreg:$0x4] =	wrdreg $0xC0  }
0xbb: {  	_ =	task [dreg:s22], $0x5FFFF  }
0xbc: {  	[dreg:$0x1] =	wrdreg $0xFFFFFFFF  }
0xbd: {  	[dreg:$0x0] =	wrdreg $0x60  }
0xbe: {  	[dreg:$0x2] =	wrdreg s18  }
0xbf: {  	[dreg:$0x3] =	wrdreg s4  }
0xc0: {  	[dreg:$0x4] =	wrdreg s24  }
0xc1: {  	[dreg:$0x5] =	wrdreg $0xA  }
0xc2: {  	_ =	task.clear_ibuf [dreg:s22], $0x6FFFF;
	_ =	strace $0x90000049  }
0xc3: {  	s29 =	simm.s32 $0xA;
	_ =	strace $0x8000004B  }
0xc4: {  	_ =	swait.ge [sflag:s29], $0x1  }
0xc5: {  	[sflag:s29] =	ssyncadd.s32 $0xFFFFFFFF  }
0xc6: {  	_ =	strace $0x9000004B  }
0xc7: {  	_ =	sfence  }
0xc8: {  	s30 =	sld [smem:$0x0];
	_ =	sdelay $0x2  }
0xc9: {  	s31 =	sshll.u32 s1, $0xD;
	s1 =	sshrl.u32 s1, $0x2  }
0xca: {  	s4 =	sand.u32 $0x4000, s31;
	s1 =	sadd.s32 s1, s30  }
0xcb: {  	s0 =	sor.u32 s4, s0;
	s1 =	sshll.u32 s1, $0x11  }
0xcc: {  	s0 =	sor.u32 s1, s0  }
0xcd: {  	s0 =	sadd.s32 $0x8F2B, s0  }
0xce: {  	[sflag:s0] =	ssyncadd.remote.s32 $0x1  }
0xcf: {  	_ =	sfence.sel $0xFFFF  }
0xd0: {  	[dreg:$0x0] =	wrdreg $0xFFFFFFFF;
	(pc) =	sbr.abs _section_cstart, $3  }
0xd1: {  	[dreg:$0x1] =	wrdreg $0xFFFFFFFF  }
0xd2: {  	_ =	task.clear_ibuf [dreg:s22], $0x2FFFF;
	_ =	strace $0x9FFFFFFF  }
0xd3: {  	(tm) =	ssettm $0x7FFFFFFF  }
tec
execute0_lowered:
.L_overlay_start_1:
0x0: {  	(tag) =	ssettag $0x1  }
0x1: {  	s1 =	rddreg [dreg:$0x0]  }
0x2: {  	s2 =	srdreg.scid;
	s4 =	rddreg [dreg:$0x1]  }
0x3: {  	s0 =	stileid.u32;
	s6 =	rddreg [dreg:$0x2]  }
0x4: {  	s3 =	simm.s32 $0x0;
	s13 =	simm.s32 $0x4100;
	s14 =	simm.s32 $0x8100  }
0x5: {  	s15 =	simm.s32 $0x9900;
	s16 =	simm.s32 $0x1;
	s17 =	simm.s32 $0x0  }
0x6: {  	s5 =	sand.u32 $0x1, s2;
	s30 =	sshll.u32 s0, $0x1;
	[smem:$0x7FF] =	sst s3  }
0x7: {  	s2 =	rddreg [dreg:$0x3];
	s7 =	sor.u32 s5, s30;
	_ =	strace $0x8000004A  }
0x8: {  	s5 =	ssub.s32 $0x2, s5;
	s8 =	smul.u32 $0x300, s7;
	s9 =	sshll.u32 s7, $0x5  }
0x9: {  	s7 =	sshll.u32 s7, $0xC;
	s31 =	sshrl.u32 s5, $0x1;
	s10 =	sadd.s32 s9, s6  }
0xa: {  	s11 =	sadd.s32 s7, s6;
	s12 =	ssub.s32 s5, s31;
	s4 =	sadd.s32 s4, s9  }
0xb: {  	s8 =	sadd.s32 s8, s6;
	s6 =	sadd.s32 $0x9400, s10;
	s7 =	sadd.s32 $0x6FC00, s11  }
0xc: {  	v1 =	vlaneseq.u32;
	s9 =	smax.u32 s12, $0x1;
	s10 =	simm.s32 $0x2;
	s12 =	simm.s32 $0x100  }
0xd: {  	v0 =	vimm.f32 $0.0e+00;
	v1 =	vmul.u32 $0x80, v1;
	s5 =	sadd.s32 $0x49C00, s8;
	s8 =	sadd.s32 $0x4FC00, s11;
	s11 =	simm.s32 $0x80  }
.LBB2_1:
0xe: {  	[tilespmem:s3], [sflag:$0x2] =	stream.linear.gather [hbm4b:s4+s3], $0x100, $0x38;
	[tilespmem:$0x11A00] =	vst v63  }
0xf: {  	_ =	swait.ge [sflag:s10], $0x100  }
0x10: {  	[sflag:s10] =	ssyncset.done $0x0  }
0x11: {  	[sflag:s10] =	ssyncadd.s32 $0xFFFFFF00  }
0x12: {  	[tilespmem:s12], [sflag:$0x1] =	stream.indirect.gather [hbm4b:s1+s11], $0x80, s3, s11, $0xb8;
	[tilespmem:$0x11A00] =	vst v63  }
0x13: {  	_ = 	snop  }
0x14: {  	[tilespmem:s13], [sflag:$0x1] =	stream.indirect.gather [hbm4b:s1+s11], $0x80, s11, s11, $0xb8;
	[tilespmem:$0x11A00] =	vst v63  }
0x15: {  	_ = 	snop  }
0x16: {  	[tilespmem:s14], [sflag:$0x2] =	stream.linear.gather [hbm4b:s5+s3], $0x1800, $0x38;
	[tilespmem:$0x11A00] =	vst v63  }
0x17: {  	_ =	swait.ge [sflag:s10], $0x1800  }
0x18: {  	[sflag:s10] =	ssyncset.done $0x0  }
0x19: {  	s18 =	simm.s32 $0x0;
	s19 =	simm.s32 $0x800;
	[sflag:s10] =	ssyncadd.s32 $0xFFFFE800  }
.LBB2_2:
0x1a: {  	p0 =	sne.s32 s19, $0x1F800;
	[tilespmem:s18+$0x9AF0] =	vst v0  }
0x1b: {  	[tilespmem:s18+$0x9900] =	vst v0  }
0x1c: {  	[tilespmem:s18+$0x9910] =	vst v0  }
0x1d: {  	[tilespmem:s18+$0x9920] =	vst v0  }
0x1e: {  	[tilespmem:s18+$0x9930] =	vst v0  }
0x1f: {  	[tilespmem:s18+$0x9940] =	vst v0  }
0x20: {  	[tilespmem:s18+$0x9950] =	vst v0  }
0x21: {  	[tilespmem:s18+$0x9960] =	vst v0  }
0x22: {  	[tilespmem:s18+$0x9970] =	vst v0  }
0x23: {  	[tilespmem:s18+$0x9980] =	vst v0  }
0x24: {  	[tilespmem:s18+$0x9990] =	vst v0  }
0x25: {  	[tilespmem:s18+$0x99A0] =	vst v0  }
0x26: {  	[tilespmem:s18+$0x99B0] =	vst v0  }
0x27: {  	[tilespmem:s18+$0x99C0] =	vst v0  }
0x28: {  	[tilespmem:s18+$0x99D0] =	vst v0  }
0x29: {  	[tilespmem:s18+$0x99E0] =	vst v0  }
0x2a: {  	[tilespmem:s18+$0x99F0] =	vst v0  }
0x2b: {  	[tilespmem:s18+$0x9A00] =	vst v0  }
0x2c: {  	[tilespmem:s18+$0x9A10] =	vst v0  }
0x2d: {  	[tilespmem:s18+$0x9A20] =	vst v0  }
0x2e: {  	[tilespmem:s18+$0x9A30] =	vst v0  }
0x2f: {  	[tilespmem:s18+$0x9A40] =	vst v0  }
0x30: {  	[tilespmem:s18+$0x9A50] =	vst v0  }
0x31: {  	[tilespmem:s18+$0x9A60] =	vst v0  }
0x32: {  	[tilespmem:s18+$0x9A70] =	vst v0  }
0x33: {  	[tilespmem:s18+$0x9A80] =	vst v0  }
0x34: {  	[tilespmem:s18+$0x9A90] =	vst v0  }
.Ltmp0:
0x35: {  	[tilespmem:s18+$0x9AA0] =	vst v0;
	(pc) =	sbr.rel @p0 .LBB2_2-.Ltmp0, $4  }
0x36: {  	[tilespmem:s18+$0x9AB0] =	vst v0  }
0x37: {  	[tilespmem:s18+$0x9AC0] =	vst v0  }
0x38: {  	[tilespmem:s18+$0x9AD0] =	vst v0  }
0x39: {  	[tilespmem:s18+$0x9AE0] =	vst v0;
	s18 =	sshra.s32 s19, $0x2;
	s19 =	sadd.s32 $0x800, s19  }
0x3a: {  	[tilespmem:s18+$0x9AF0] =	vst v0  }
0x3b: {  	[tilespmem:s18+$0x9900] =	vst v0  }
0x3c: {  	[tilespmem:s18+$0x9910] =	vst v0  }
0x3d: {  	[tilespmem:s18+$0x9920] =	vst v0  }
0x3e: {  	[tilespmem:s18+$0x9930] =	vst v0  }
0x3f: {  	[tilespmem:s18+$0x9940] =	vst v0  }
0x40: {  	[tilespmem:s18+$0x9950] =	vst v0  }
0x41: {  	[tilespmem:s18+$0x9960] =	vst v0  }
0x42: {  	[tilespmem:s18+$0x9970] =	vst v0  }
0x43: {  	[tilespmem:s18+$0x9980] =	vst v0  }
0x44: {  	[tilespmem:s18+$0x9990] =	vst v0  }
0x45: {  	[tilespmem:s18+$0x99A0] =	vst v0  }
0x46: {  	[tilespmem:s18+$0x99B0] =	vst v0  }
0x47: {  	[tilespmem:s18+$0x99C0] =	vst v0  }
0x48: {  	[tilespmem:s18+$0x99D0] =	vst v0  }
0x49: {  	[tilespmem:s18+$0x99E0] =	vst v0  }
0x4a: {  	[tilespmem:s18+$0x99F0] =	vst v0  }
0x4b: {  	[tilespmem:s18+$0x9A00] =	vst v0  }
0x4c: {  	[tilespmem:s18+$0x9A10] =	vst v0  }
0x4d: {  	[tilespmem:s18+$0x9A20] =	vst v0  }
0x4e: {  	[tilespmem:s18+$0x9A30] =	vst v0  }
0x4f: {  	[tilespmem:s18+$0x9A40] =	vst v0  }
0x50: {  	[tilespmem:s18+$0x9A50] =	vst v0  }
0x51: {  	[tilespmem:s18+$0x9A60] =	vst v0  }
0x52: {  	[tilespmem:s18+$0x9A70] =	vst v0  }
0x53: {  	[tilespmem:s18+$0x9A80] =	vst v0  }
0x54: {  	[tilespmem:s18+$0x9A90] =	vst v0  }
0x55: {  	[tilespmem:s18+$0x9AA0] =	vst v0  }
0x56: {  	[tilespmem:s18+$0x9AB0] =	vst v0  }
0x57: {  	[tilespmem:s18+$0x9AC0] =	vst v0  }
0x58: {  	[tilespmem:s18+$0x9AD0] =	vst v0  }
0x59: {  	[tilespmem:s18+$0x9AE0] =	vst v0;
	s18 =	simm.s32 $0x0;
	s19 =	simm.s32 $0x11900  }
0x5a: {  	[tilespmem:s19], [sflag:$0x2] =	stream.linear.gather [hbm4b:s6+s18], $0x100, $0x38;
	[tilespmem:$0x11A00] =	vst v63  }
0x5b: {  	_ =	swait.ge [sflag:s10], $0x100  }
0x5c: {  	[sflag:s10] =	ssyncset.done $0x0  }
0x5d: {  	s20 =	simm.s32 $0x0;
	[sflag:s10] =	ssyncadd.s32 $0xFFFFFF00  }
.LBB2_4:
0x5e: {  	v2 =	vmov s20  }
0x5f: {  	v2 =	vshll.u32 v2, $0x7  }
0x60: {  	v2 =	vor.u32 v1, v2  }
0x61: {  	v3 =	vld [tilespmem:s19+$0x0];
	v4 =	vor.u32 $0x7F, v2;
	_ =	sdelay $0x3  }
0x62: {  	s21 =	sand.u32 $0x70, s20;
	s22 =	sand.u32 $0x400, s18  }
0x63: {  	s21 =	sor.u32 s21, s22;
	[tilespmem:v4+s15+$0x0] =	vst.idx.msk $0xffff, v3  }
0x64: {  	v3 =	vld [tilespmem:s21+$0x8100];
	_ =	sdelay $0x4  }
0x65: {  	v44 =	vand.u32 $0xFFFFFF80, v3  }
0x66: {  	v3 =	vand.u32 $0x7F, v3;
	v4 =	vadd.s32 v2, v44  }
0x67: {  	v3 =	vor.u32 v3, v4;
	_ =	sdelay $0x4  }
0x68: {  	v4 =	vld.idx.msk [tilespmem:v3+s15+$0x0], $0xffff;
	_ =	sdelay $0x4  }
0x69: {  	v4 =	vadd.f32 $1.000000000e+00, v4;
	_ =	sdelay $0x1  }
0x6a: {  	[tilespmem:v3+s15+$0x0] =	vst.idx.msk $0xffff, v4  }
0x6b: {  	v3 =	vld [tilespmem:s21+$0x8180];
	_ =	sdelay $0x4  }
0x6c: {  	v45 =	vand.u32 $0xFFFFFF80, v3  }
0x6d: {  	v3 =	vand.u32 $0x7F, v3;
	v4 =	vadd.s32 v2, v45  }
0x6e: {  	v3 =	vor.u32 v3, v4;
	_ =	sdelay $0x4  }
0x6f: {  	v4 =	vld.idx.msk [tilespmem:v3+s15+$0x0], $0xffff;
	_ =	sdelay $0x4  }
0x70: {  	v4 =	vadd.f32 $1.000000000e+00, v4;
	_ =	sdelay $0x1  }
0x71: {  	[tilespmem:v3+s15+$0x0] =	vst.idx.msk $0xffff, v4  }
0x72: {  	v3 =	vld [tilespmem:s21+$0x8200];
	_ =	sdelay $0x4  }
0x73: {  	v46 =	vand.u32 $0xFFFFFF80, v3  }
0x74: {  	v3 =	vand.u32 $0x7F, v3;
	v4 =	vadd.s32 v2, v46  }
0x75: {  	v3 =	vor.u32 v3, v4;
	_ =	sdelay $0x4  }
0x76: {  	v4 =	vld.idx.msk [tilespmem:v3+s15+$0x0], $0xffff;
	_ =	sdelay $0x4  }
0x77: {  	v4 =	vadd.f32 $1.000000000e+00, v4;
	_ =	sdelay $0x1  }
0x78: {  	[tilespmem:v3+s15+$0x0] =	vst.idx.msk $0xffff, v4  }
0x79: {  	v3 =	vld [tilespmem:s21+$0x8280];
	_ =	sdelay $0x4  }
0x7a: {  	v47 =	vand.u32 $0xFFFFFF80, v3  }
0x7b: {  	v3 =	vand.u32 $0x7F, v3;
	v4 =	vadd.s32 v2, v47  }
0x7c: {  	v3 =	vor.u32 v3, v4;
	_ =	sdelay $0x4  }
0x7d: {  	v4 =	vld.idx.msk [tilespmem:v3+s15+$0x0], $0xffff;
	_ =	sdelay $0x4  }
0x7e: {  	v4 =	vadd.f32 $1.000000000e+00, v4;
	_ =	sdelay $0x1  }
0x7f: {  	[tilespmem:v3+s15+$0x0] =	vst.idx.msk $0xffff, v4  }
0x80: {  	v3 =	vld [tilespmem:s21+$0x8300];
	_ =	sdelay $0x4  }
0x81: {  	v48 =	vand.u32 $0xFFFFFF80, v3  }
0x82: {  	v3 =	vand.u32 $0x7F, v3;
	v4 =	vadd.s32 v2, v48  }
0x83: {  	v3 =	vor.u32 v3, v4;
	_ =	sdelay $0x4  }
0x84: {  	v4 =	vld.idx.msk [tilespmem:v3+s15+$0x0], $0xffff;
	_ =	sdelay $0x4  }
0x85: {  	v4 =	vadd.f32 $1.000000000e+00, v4;
	_ =	sdelay $0x1  }
0x86: {  	[tilespmem:v3+s15+$0x0] =	vst.idx.msk $0xffff, v4  }
0x87: {  	v3 =	vld [tilespmem:s21+$0x8380];
	_ =	sdelay $0x4  }
0x88: {  	v49 =	vand.u32 $0xFFFFFF80, v3  }
0x89: {  	v3 =	vand.u32 $0x7F, v3;
	v4 =	vadd.s32 v2, v49  }
0x8a: {  	v3 =	vor.u32 v3, v4;
	_ =	sdelay $0x4  }
0x8b: {  	v4 =	vld.idx.msk [tilespmem:v3+s15+$0x0], $0xffff;
	_ =	sdelay $0x4  }
0x8c: {  	v4 =	vadd.f32 $1.000000000e+00, v4;
	_ =	sdelay $0x1  }
0x8d: {  	[tilespmem:v3+s15+$0x0] =	vst.idx.msk $0xffff, v4  }
0x8e: {  	v3 =	vld [tilespmem:s21+$0x8400];
	_ =	sdelay $0x4  }
0x8f: {  	v50 =	vand.u32 $0xFFFFFF80, v3  }
0x90: {  	v3 =	vand.u32 $0x7F, v3;
	v4 =	vadd.s32 v2, v50  }
0x91: {  	v3 =	vor.u32 v3, v4;
	_ =	sdelay $0x4  }
0x92: {  	v4 =	vld.idx.msk [tilespmem:v3+s15+$0x0], $0xffff;
	_ =	sdelay $0x4  }
0x93: {  	v4 =	vadd.f32 $1.000000000e+00, v4  }
0x94: {  	s31 =	sor.u32 s18, s20  }
0x95: {  	s22 =	sor.u32 $0x380, s31;
	[tilespmem:v3+s15+$0x0] =	vst.idx.msk $0xffff, v4  }
0x96: {  	v3 =	vld [tilespmem:s22+$0x8100];
	_ =	sdelay $0x4  }
0x97: {  	v51 =	vand.u32 $0xFFFFFF80, v3  }
0x98: {  	v3 =	vand.u32 $0x7F, v3;
	v4 =	vadd.s32 v2, v51  }
0x99: {  	v3 =	vor.u32 v3, v4;
	_ =	sdelay $0x4  }
0x9a: {  	v4 =	vld.idx.msk [tilespmem:v3+s15+$0x0], $0xffff;
	_ =	sdelay $0x4  }
0x9b: {  	v4 =	vadd.f32 $1.000000000e+00, v4;
	_ =	sdelay $0x1  }
0x9c: {  	[tilespmem:v3+s15+$0x0] =	vst.idx.msk $0xffff, v4  }
0x9d: {  	v3 =	vld [tilespmem:s21+$0x8900];
	_ =	sdelay $0x4  }
0x9e: {  	v52 =	vand.u32 $0xFFFFFF80, v3  }
0x9f: {  	v3 =	vand.u32 $0x7F, v3;
	v4 =	vadd.s32 v2, v52  }
0xa0: {  	v3 =	vor.u32 v3, v4;
	_ =	sdelay $0x4  }
0xa1: {  	v4 =	vld.idx.msk [tilespmem:v3+s15+$0x0], $0xffff;
	_ =	sdelay $0x4  }
0xa2: {  	v4 =	vadd.f32 $1.000000000e+00, v4;
	_ =	sdelay $0x1  }
0xa3: {  	[tilespmem:v3+s15+$0x0] =	vst.idx.msk $0xffff, v4  }
0xa4: {  	v3 =	vld [tilespmem:s21+$0x8980];
	_ =	sdelay $0x4  }
0xa5: {  	v53 =	vand.u32 $0xFFFFFF80, v3  }
0xa6: {  	v3 =	vand.u32 $0x7F, v3;
	v4 =	vadd.s32 v2, v53  }
0xa7: {  	v3 =	vor.u32 v3, v4;
	_ =	sdelay $0x4  }
0xa8: {  	v4 =	vld.idx.msk [tilespmem:v3+s15+$0x0], $0xffff;
	_ =	sdelay $0x4  }
0xa9: {  	v4 =	vadd.f32 $1.000000000e+00, v4;
	_ =	sdelay $0x1  }
0xaa: {  	[tilespmem:v3+s15+$0x0] =	vst.idx.msk $0xffff, v4  }
0xab: {  	v3 =	vld [tilespmem:s21+$0x8A00];
	_ =	sdelay $0x4  }
0xac: {  	v54 =	vand.u32 $0xFFFFFF80, v3  }
0xad: {  	v3 =	vand.u32 $0x7F, v3;
	v4 =	vadd.s32 v2, v54  }
0xae: {  	v3 =	vor.u32 v3, v4;
	_ =	sdelay $0x4  }
0xaf: {  	v4 =	vld.idx.msk [tilespmem:v3+s15+$0x0], $0xffff;
	_ =	sdelay $0x4  }
0xb0: {  	v4 =	vadd.f32 $1.000000000e+00, v4;
	_ =	sdelay $0x1  }
0xb1: {  	[tilespmem:v3+s15+$0x0] =	vst.idx.msk $0xffff, v4  }
0xb2: {  	v3 =	vld [tilespmem:s21+$0x8A80];
	_ =	sdelay $0x4  }
0xb3: {  	v55 =	vand.u32 $0xFFFFFF80, v3  }
0xb4: {  	v3 =	vand.u32 $0x7F, v3;
	v4 =	vadd.s32 v2, v55  }
0xb5: {  	v3 =	vor.u32 v3, v4;
	_ =	sdelay $0x4  }
0xb6: {  	v4 =	vld.idx.msk [tilespmem:v3+s15+$0x0], $0xffff;
	_ =	sdelay $0x4  }
0xb7: {  	v4 =	vadd.f32 $1.000000000e+00, v4;
	_ =	sdelay $0x1  }
0xb8: {  	[tilespmem:v3+s15+$0x0] =	vst.idx.msk $0xffff, v4  }
0xb9: {  	v3 =	vld [tilespmem:s21+$0x8B00];
	_ =	sdelay $0x4  }
0xba: {  	v56 =	vand.u32 $0xFFFFFF80, v3  }
0xbb: {  	v3 =	vand.u32 $0x7F, v3;
	v4 =	vadd.s32 v2, v56  }
0xbc: {  	v3 =	vor.u32 v3, v4;
	_ =	sdelay $0x4  }
0xbd: {  	v4 =	vld.idx.msk [tilespmem:v3+s15+$0x0], $0xffff;
	_ =	sdelay $0x4  }
0xbe: {  	v4 =	vadd.f32 $1.000000000e+00, v4;
	_ =	sdelay $0x1  }
0xbf: {  	[tilespmem:v3+s15+$0x0] =	vst.idx.msk $0xffff, v4  }
0xc0: {  	v3 =	vld [tilespmem:s21+$0x8B80];
	_ =	sdelay $0x4  }
0xc1: {  	v57 =	vand.u32 $0xFFFFFF80, v3  }
0xc2: {  	v3 =	vand.u32 $0x7F, v3;
	v4 =	vadd.s32 v2, v57  }
0xc3: {  	v3 =	vor.u32 v3, v4;
	_ =	sdelay $0x4  }
0xc4: {  	v4 =	vld.idx.msk [tilespmem:v3+s15+$0x0], $0xffff;
	_ =	sdelay $0x4  }
0xc5: {  	v4 =	vadd.f32 $1.000000000e+00, v4;
	_ =	sdelay $0x1  }
0xc6: {  	[tilespmem:v3+s15+$0x0] =	vst.idx.msk $0xffff, v4  }
0xc7: {  	v3 =	vld [tilespmem:s21+$0x8C00];
	_ =	sdelay $0x4  }
0xc8: {  	v58 =	vand.u32 $0xFFFFFF80, v3  }
0xc9: {  	v3 =	vand.u32 $0x7F, v3;
	v4 =	vadd.s32 v2, v58  }
0xca: {  	v3 =	vor.u32 v3, v4;
	_ =	sdelay $0x4  }
0xcb: {  	v4 =	vld.idx.msk [tilespmem:v3+s15+$0x0], $0xffff;
	_ =	sdelay $0x4  }
0xcc: {  	v4 =	vadd.f32 $1.000000000e+00, v4;
	_ =	sdelay $0x1  }
0xcd: {  	[tilespmem:v3+s15+$0x0] =	vst.idx.msk $0xffff, v4  }
0xce: {  	v3 =	vld [tilespmem:s21+$0x8C80];
	_ =	sdelay $0x4  }
0xcf: {  	v59 =	vand.u32 $0xFFFFFF80, v3  }
0xd0: {  	v3 =	vand.u32 $0x7F, v3;
	v4 =	vadd.s32 v2, v59  }
0xd1: {  	v3 =	vor.u32 v3, v4;
	_ =	sdelay $0x4  }
0xd2: {  	v4 =	vld.idx.msk [tilespmem:v3+s15+$0x0], $0xffff;
	_ =	sdelay $0x4  }
0xd3: {  	v4 =	vadd.f32 $1.000000000e+00, v4;
	_ =	sdelay $0x1  }
0xd4: {  	[tilespmem:v3+s15+$0x0] =	vst.idx.msk $0xffff, v4  }
0xd5: {  	v3 =	vld [tilespmem:s21+$0x9100];
	_ =	sdelay $0x4  }
0xd6: {  	v60 =	vand.u32 $0xFFFFFF80, v3  }
0xd7: {  	v3 =	vand.u32 $0x7F, v3;
	v4 =	vadd.s32 v2, v60  }
0xd8: {  	v3 =	vor.u32 v3, v4;
	_ =	sdelay $0x4  }
0xd9: {  	v4 =	vld.idx.msk [tilespmem:v3+s15+$0x0], $0xffff;
	_ =	sdelay $0x4  }
0xda: {  	v4 =	vadd.f32 $1.000000000e+00, v4;
	_ =	sdelay $0x1  }
0xdb: {  	[tilespmem:v3+s15+$0x0] =	vst.idx.msk $0xffff, v4  }
0xdc: {  	v3 =	vld [tilespmem:s21+$0x9180];
	_ =	sdelay $0x4  }
0xdd: {  	v61 =	vand.u32 $0xFFFFFF80, v3  }
0xde: {  	v3 =	vand.u32 $0x7F, v3;
	v4 =	vadd.s32 v2, v61  }
0xdf: {  	v3 =	vor.u32 v3, v4;
	_ =	sdelay $0x4  }
0xe0: {  	v4 =	vld.idx.msk [tilespmem:v3+s15+$0x0], $0xffff;
	_ =	sdelay $0x4  }
0xe1: {  	v4 =	vadd.f32 $1.000000000e+00, v4;
	_ =	sdelay $0x1  }
0xe2: {  	[tilespmem:v3+s15+$0x0] =	vst.idx.msk $0xffff, v4  }
0xe3: {  	v3 =	vld [tilespmem:s21+$0x9200];
	_ =	sdelay $0x4  }
0xe4: {  	v62 =	vand.u32 $0xFFFFFF80, v3  }
0xe5: {  	v3 =	vand.u32 $0x7F, v3;
	v4 =	vadd.s32 v2, v62  }
0xe6: {  	v3 =	vor.u32 v3, v4;
	_ =	sdelay $0x4  }
0xe7: {  	v4 =	vld.idx.msk [tilespmem:v3+s15+$0x0], $0xffff;
	_ =	sdelay $0x4  }
0xe8: {  	v4 =	vadd.f32 $1.000000000e+00, v4;
	_ =	sdelay $0x1  }
0xe9: {  	[tilespmem:v3+s15+$0x0] =	vst.idx.msk $0xffff, v4  }
0xea: {  	v3 =	vld [tilespmem:s21+$0x9280];
	_ =	sdelay $0x4  }
0xeb: {  	v63 =	vand.u32 $0xFFFFFF80, v3  }
0xec: {  	v3 =	vand.u32 $0x7F, v3;
	v2 =	vadd.s32 v2, v63  }
0xed: {  	v2 =	vor.u32 v3, v2;
	_ =	sdelay $0x4  }
0xee: {  	v3 =	vld.idx.msk [tilespmem:v2+s15+$0x0], $0xffff;
	_ =	sdelay $0x1  }
0xef: {  	p0 =	sne.s32 s20, $0xF0  }
.Ltmp1:
0xf0: {  	_ = 	snop;
	(pc) =	sbr.rel @p0 .LBB2_4-.Ltmp1, $3  }
0xf1: {  	_ = 	snop  }
0xf2: {  	v3 =	vadd.f32 $1.000000000e+00, v3;
	_ =	sdelay $0x1  }
0xf3: {  	s18 =	sadd.s32 $0x80, s18;
	s19 =	sadd.s32 $0x10, s19;
	s20 =	sadd.s32 $0x10, s20;
	[tilespmem:v2+s15+$0x0] =	vst.idx.msk $0xffff, v3  }
0xf4: {  	[hbm4b:s7+s3] =	stream.linear.scatter [tilespmem:s15], [sflag:$0x2], $0x8000, $0x38;
	[tilespmem:$0x11A00] =	vst v63  }
0xf5: {  	_ =	swait.ge [sflag:s10], $0x8000  }
0xf6: {  	[sflag:s10] =	ssyncset.done $0x0  }
0xf7: {  	[sflag:s10] =	ssyncadd.s32 $0xFFFF8000  }
0xf8: {  	_ =	swait.ge [sflag:s16], $0x4000  }
0xf9: {  	[sflag:s16] =	ssyncset.done $0x0  }
0xfa: {  	[sflag:s16] =	ssyncadd.s32 $0xFFFFC000  }
0xfb: {  	s17 =	sadd.s32 $0x1, s17;
	_ =	swait.ge [sflag:s16], $0x4000  }
0xfc: {  	p0 =	sne.s32 s17, s9;
	[sflag:s16] =	ssyncset.done $0x0  }
.Ltmp2:
0xfd: {  	[sflag:s16] =	ssyncadd.s32 $0xFFFFC000;
	(pc) =	sbr.rel @p0 .LBB2_1-.Ltmp2, $4  }
0xfe: {  	[hbm4b:s8+s3] =	stream.linear.scatter [tilespmem:s12], [sflag:$0x2], $0x8000, $0x38;
	[tilespmem:$0x11A00] =	vst v63  }
0xff: {  	_ =	swait.ge [sflag:s10], $0x8000  }
0x100: {  	[sflag:s10] =	ssyncset.done $0x0  }
0x101: {  	[sflag:s10] =	ssyncadd.s32 $0xFFFF8000  }
0x102: {  	_ =	sfence.sel $0x180000  }
0x103: {  	[bflag:$0x0] =	sbarrier.arrive $0xFFFF  }
0x104: {  	p0 =	sne.s32 s0, $0x0;
	_ =	strace $0x9000004A  }
0x105: {  	s0 =	sadd.s32 @!p0 $0x100000, s2;
	[bflag:$0x2] =	sbarrier.arrive $0xFFFF  }
0x106: {  	[sflag:s0] =	ssyncadd.tile.s32 @!p0 $0x1;
	_ =	shalt  }
.Lfunc_end2:
_tile_overlayer_lowered:
.L_overlay_start_2:
0x107: {  	(tag) =	ssettag $0x2  }
0x108: {  	s0 =	rddreg [dreg:$0x0];
	s2 =	stileid.u32  }
0x109: {  	s1 =	rddreg [dreg:$0x1];
	p0 =	sne.s32 s2, $0x0  }
0x10a: {  	s3 =	rddreg [dreg:$0x2];
	[bflag:$0x3] =	sbarrier.arrive $0xFFFF;
	s2 =	simm.s32 @!p0 $0x1C02  }
0x10b: {  	[timem:s3], [sflag:s2] =	dma.local @!p0 [hbm:s0], s1  }
0x10c: {  	s0 =	simm.s32 @!p0 $0x2  }
0x10d: {  	_ =	swait.ge @!p0 [sflag:s0], s1  }
0x10e: {  	s1 =	ssub.s32 @!p0 $0x0, s1;
	[sflag:s0] =	ssyncset.done @!p0 $0x0  }
0x10f: {  	[sflag:s0] =	ssyncadd.s32 @!p0 s1  }
0x110: {  	[bflag:$0x3] =	sbarrier.arrive $0xFFFF  }
0x111: {  	_ =	shalt  }

</sc_bundles>
